<compile_context>
chip_gen: v7x
topology: tpu7x:2x2x1
jax: 0.10.2.dev20260603
libtpu: 0.0.44.dev20260713+nightly
codegen_flags: <defaults>
</compile_context>

<pallas_src>
import functools

import jax
import jax.numpy as jnp
from jax import lax
from jax.experimental import pallas as pl
from jax.experimental.pallas import tpu as pltpu
from jax.experimental.pallas import tpu_sc as plsc

N = 10000
E = 160000
D = 256
H = 128

NC = 2
NT = 16
NW = NC * NT
NP = 10240
EP = 163840
EPW = EP // NW
CHUNK = 128
NCH = EPW // CHUNK
C0CH = 48
C1CH = 80 - C0CH
MXCH = max(C0CH, C1CH)
RPT = NP // NT

_mesh = plsc.VectorSubcoreMesh(core_axis_name="c", subcore_axis_name="s")



@functools.partial(
    pl.kernel,
    out_type=jax.ShapeDtypeStruct((NW, NP), jnp.float32),
    mesh=_mesh,
    scratch_types=[
        pltpu.VMEM((NCH, CHUNK), jnp.int32),
        pltpu.VMEM((NP,), jnp.float32),
    ],
    compiler_params=pltpu.CompilerParams(needs_layout_passes=False),
)
def _sc_deg(dstp2, out, idx_d, deg):
    c = lax.axis_index("c")
    s = lax.axis_index("s")
    wid = c * NT + s

    def zbody(i, carry):
        deg[pl.ds(i * 16, 16)] = jnp.zeros((16,), jnp.float32)
        return carry

    lax.fori_loop(0, NP // 16, zbody, 0)
    pltpu.sync_copy(dstp2.at[pl.ds(wid * NCH, NCH)], idx_d)
    ones = jnp.ones((16,), jnp.float32)

    def body(j, carry):
        def inner(k, carry2):
            idx = idx_d[j, pl.ds(k * 16, 16)]
            plsc.addupdate_scatter(deg, [idx], ones)
            return carry2

        return lax.fori_loop(0, CHUNK // 16, inner, carry)

    lax.fori_loop(0, NCH, body, 0)
    pltpu.sync_copy(deg, out.at[wid])


@functools.partial(
    pl.kernel,
    out_type=jax.ShapeDtypeStruct((NC, NP, H), jnp.float32),
    mesh=_mesh,
    scratch_types=[
        pltpu.VMEM((MXCH, CHUNK), jnp.int32),
        pltpu.VMEM((MXCH, CHUNK), jnp.int32),
        pltpu.VMEM((CHUNK, H), jnp.float32),
        pltpu.VMEM((CHUNK, H), jnp.float32),
        pltpu.VMEM_SHARED((NP, H), jnp.float32),
        pltpu.SemaphoreType.DMA,
    ],
)
def _sc_pass(table, srcp2, dstp2, zeros, out, idx_s, idx_d, rows0, rows1,
             acc, sem0):
    c = lax.axis_index("c")
    s = lax.axis_index("s")
    pltpu.sync_copy(zeros, acc.at[pl.ds(s * RPT, RPT)])
    nch_me = lax.select(c == 0, C0CH, C1CH)

    @pl.when(c == 0)
    def _():
        pltpu.sync_copy(srcp2.at[pl.ds(s * C0CH, C0CH)],
                        idx_s.at[pl.ds(0, C0CH)])
        pltpu.sync_copy(dstp2.at[pl.ds(s * C0CH, C0CH)],
                        idx_d.at[pl.ds(0, C0CH)])

    @pl.when(c == 1)
    def _():
        pltpu.sync_copy(srcp2.at[pl.ds(NT * C0CH + s * C1CH, C1CH)],
                        idx_s.at[pl.ds(0, C1CH)])
        pltpu.sync_copy(dstp2.at[pl.ds(NT * C0CH + s * C1CH, C1CH)],
                        idx_d.at[pl.ds(0, C1CH)])

    plsc.subcore_barrier()

    def body(j2, carry):
        j = j2 * 2
        pltpu.async_copy(table.at[idx_s.at[j]], rows0, sem0)
        pltpu.async_copy(table.at[idx_s.at[j + 1]], rows1, sem0)
        pltpu.make_async_copy(table.at[idx_s.at[j]], rows0, sem0).wait()
        pltpu.sync_copy(rows0, acc.at[idx_d.at[j]], add=True)
        pltpu.make_async_copy(table.at[idx_s.at[j + 1]], rows1, sem0).wait()
        pltpu.sync_copy(rows1, acc.at[idx_d.at[j + 1]], add=True)
        return carry

    lax.fori_loop(0, nch_me // 2, body, 0)
    plsc.subcore_barrier()
    pltpu.sync_copy(acc.at[pl.ds(s * RPT, RPT)],
                    out.at[c].at[pl.ds(s * RPT, RPT)])



_R = 1000


def _gelu(v):
    return 0.5 * v * (1.0 + lax.erf(v * 0.7071067811865476))


def _tc_a(x, W1, degp):

    def body(x_ref, w_ref, deg_ref, h1s_ref, dinvb_ref):
        dsum = jnp.sum(deg_ref[...], axis=1, keepdims=True)
        dinv = lax.rsqrt(dsum + 1.0)
        dinvb = jnp.broadcast_to(dinv, (_R, H))
        h = jnp.dot(x_ref[...], w_ref[...],
                    preferred_element_type=jnp.float32)
        h1s_ref[...] = h * dinvb
        dinvb_ref[...] = dinvb

    return pl.pallas_call(
        body,
        grid=(N // _R,),
        in_specs=[
            pl.BlockSpec((_R, D), lambda m: (m, 0)),
            pl.BlockSpec((D, H), lambda m: (0, 0)),
            pl.BlockSpec((_R, NW), lambda m: (m, 0)),
        ],
        out_specs=[
            pl.BlockSpec((_R, H), lambda m: (m, 0)),
            pl.BlockSpec((_R, H), lambda m: (m, 0)),
        ],
        out_shape=[
            jax.ShapeDtypeStruct((N, H), jnp.float32),
            jax.ShapeDtypeStruct((N, H), jnp.float32),
        ],
    )(x, W1, degp)


def _tc_b(s1, h1s, dinvb, b1, W2):

    def body(s_ref, h1s_ref, dinvb_ref, b1_ref, w2_ref, h2s_ref):
        dinvb = dinvb_ref[...]
        agg = dinvb * (s_ref[0] + s_ref[1] + h1s_ref[...]) + b1_ref[...]
        y = _gelu(agg)
        mu = jnp.mean(y, axis=-1, keepdims=True)
        var = jnp.mean((y - mu) ** 2, axis=-1, keepdims=True)
        ln = (y - mu) / jnp.sqrt(var + 1e-5)
        h2 = jnp.dot(ln, w2_ref[...], preferred_element_type=jnp.float32)
        h2s_ref[...] = h2 * dinvb

    return pl.pallas_call(
        body,
        grid=(N // _R,),
        in_specs=[
            pl.BlockSpec((NC, _R, H), lambda m: (0, m, 0)),
            pl.BlockSpec((_R, H), lambda m: (m, 0)),
            pl.BlockSpec((_R, H), lambda m: (m, 0)),
            pl.BlockSpec((1, H), lambda m: (0, 0)),
            pl.BlockSpec((H, H), lambda m: (0, 0)),
        ],
        out_specs=pl.BlockSpec((_R, H), lambda m: (m, 0)),
        out_shape=jax.ShapeDtypeStruct((N, H), jnp.float32),
    )(s1, h1s, dinvb, b1, W2)


def _tc_c(s2, h2s, dinvb, b2):

    def body(s_ref, h2s_ref, dinvb_ref, b2_ref, out_ref):
        agg = (dinvb_ref[...] * (s_ref[0] + s_ref[1] + h2s_ref[...])
               + b2_ref[...])
        out_ref[...] = _gelu(agg)

    return pl.pallas_call(
        body,
        grid=(N // _R,),
        in_specs=[
            pl.BlockSpec((NC, _R, H), lambda m: (0, m, 0)),
            pl.BlockSpec((_R, H), lambda m: (m, 0)),
            pl.BlockSpec((_R, H), lambda m: (m, 0)),
            pl.BlockSpec((1, H), lambda m: (0, 0)),
        ],
        out_specs=pl.BlockSpec((_R, H), lambda m: (m, 0)),
        out_shape=jax.ShapeDtypeStruct((N, H), jnp.float32),
    )(s2, h2s, dinvb, b2)



def kernel(x, edge_index, W1, b1, W2, b2):
    src = edge_index[0]
    dst = edge_index[1]
    pad = EP - E
    srcp = jnp.concatenate(
        [src, jnp.zeros((pad,), jnp.int32)]).reshape(EP // CHUNK, CHUNK)
    dstp = jnp.concatenate(
        [dst, jnp.full((pad,), N, jnp.int32)]).reshape(EP // CHUNK, CHUNK)
    zeros = jnp.zeros((RPT, H), jnp.float32)

    degp = _sc_deg(dstp)
    h1s, dinvb = _tc_a(x, W1, degp[:, :N].T)
    s1 = _sc_pass(h1s, srcp, dstp, zeros)
    h2s = _tc_b(s1[:, :N, :], h1s, dinvb, b1.reshape(1, H), W2)
    s2 = _sc_pass(h2s, srcp, dstp, zeros)
    return _tc_c(s2[:, :N, :], h2s, dinvb, b2.reshape(1, H))

# --- scband reference (transcript-rebuilt; emitter-appended) ---
"""Pipeline reference for scband-actor-critic-55121610276990 (READ-ONLY COPY).

The authoritative reference and input builder live on the scoring server;
editing this copy changes nothing except your own understanding.
"""

import jax, jax.numpy as jnp
import numpy as np

N = 10000
E = 160000
D = 256
H = 128


def setup_inputs(seed: int = 0) -> dict:
    key = jax.random.key(seed)
    ks = jax.random.split(key, 6)
    x = jax.random.normal(ks[0], (N, D), dtype=jnp.float32)
    edge_index = jax.random.randint(ks[1], (2, E), 0, N, dtype=jnp.int32)
    W1 = jax.random.normal(ks[2], (D, H), dtype=jnp.float32) * (1.0 / np.sqrt(D))
    b1 = jnp.zeros((H,), dtype=jnp.float32)
    W2 = jax.random.normal(ks[3], (H, H), dtype=jnp.float32) * (1.0 / np.sqrt(H))
    b2 = jnp.zeros((H,), dtype=jnp.float32)
    return {"x": x, "edge_index": edge_index, "W1": W1, "b1": b1, "W2": W2, "b2": b2}


def _gcn_layer(x, edge_index, W, b):
    # PyG GCNConv: add self-loops, symmetric normalization D^-1/2 (A+I) D^-1/2 X W + b
    n = x.shape[0]
    loop = jnp.arange(n, dtype=edge_index.dtype)
    src = jnp.concatenate([edge_index[0], loop])
    dst = jnp.concatenate([edge_index[1], loop])
    deg = jax.ops.segment_sum(jnp.ones_like(dst, dtype=x.dtype), dst, num_segments=n)
    dinv = jnp.where(deg > 0, jax.lax.rsqrt(jnp.maximum(deg, 1e-12)), 0.0)
    norm = dinv[src] * dinv[dst]
    h = x @ W
    msg = h[src] * norm[:, None]
    out = jax.ops.segment_sum(msg, dst, num_segments=n)
    return out + b


def _layer_norm(x, eps=1e-5):
    mu = jnp.mean(x, axis=-1, keepdims=True)
    var = jnp.mean((x - mu) ** 2, axis=-1, keepdims=True)
    return (x - mu) / jnp.sqrt(var + eps)


def reference(x, edge_index, W1, b1, W2, b2):
    h = _gcn_layer(x, edge_index, W1, b1)
    h = jax.nn.gelu(h, approximate=False)
    h = _layer_norm(h)
    h = _gcn_layer(h, edge_index, W2, b2)
    h = jax.nn.gelu(h, approximate=False)
    return h

if __name__ == "__main__":
    import jax
    _d = setup_inputs()
    print(jax.jit(kernel)(*tuple(_d.values())))

</pallas_src>

<mosaic_0001>
#map = affine_map<(d0, d1) -> (0, 0)>
module attributes {stable_mosaic.version = 14 : i64} {
  func.func @_sc_deg(%arg0: i32, %arg1: i32, %arg2: memref<1280x128xi32, #tpu.memory_space<hbm>>, %arg3: memref<32x10240xf32, #tpu.memory_space<hbm>>, %arg4: memref<40x128xi32, #tpu.memory_space<vmem>>, %arg5: memref<10240xf32, #tpu.memory_space<vmem>>) attributes {dimension_semantics = [#tpu.dimension_semantics<core_parallel>, #tpu.dimension_semantics<subcore_parallel>], iteration_bounds = array<i64: 2, 16>, scalar_prefetch = 0 : i64, scratch_operands = 2 : i64, tpu.core_type = #tpu.core_type<sc_vector_subcore>, window_params = [{transform_indices = #map}, {transform_indices = #map}]} {
    %mul3A = arith.constant 16 : i32
    %mul3A_0 = arith.muli %arg0, %mul3A : i32
    %add3A = arith.addi %mul3A_0, %arg1 : i32
    %scan3A = arith.constant 0 : i32
    %scan3A_1 = arith.constant 0 : i32
    %scan3A_2 = arith.constant 640 : i32
    %scan3A_3 = arith.addi %scan3A_1, %scan3A_2 : i32
    %scan3A_4 = arith.constant 1 : i32
    scf.for %scan3A_15 = %scan3A_1 to %scan3A_3 step %scan3A_4  : i32 {
      %broadcast_in_dim3A_16 = arith.constant 0.000000e+00 : f32
      %broadcast_in_dim3A_17 = vector.broadcast %broadcast_in_dim3A_16 : f32 to vector<16xf32>
      %mul3A_18 = arith.constant 16 : i32
      %mul3A_19 = arith.muli %scan3A_15, %mul3A_18 : i32
      %swap3A = arith.index_cast %mul3A_19 : i32 to index
      %swap3A_20 = tpu.vector_load %arg5[%swap3A] {strides = array<i32>} : memref<10240xf32, #tpu.memory_space<vmem>>, vector<16xf32>,
      tpu.vector_store %arg5[%swap3A], %broadcast_in_dim3A_17 {strides = array<i32>} : memref<10240xf32, #tpu.memory_space<vmem>>, vector<16xf32>,
    }
    %scan3A_5 = arith.constant 640 : i32
    %mul3A_6 = arith.constant 40 : i32
    %mul3A_7 = arith.muli %add3A, %mul3A_6 : i32
    "tpu.region"() ({
      %run_scoped3A = tpu.sem_alloc : memref<!tpu.dma_semaphore, #tpu.memory_space<semaphore_mem>>
      %dma_start3A = arith.constant 0 : i32
      %dma_start3A_15 = tpu.memref_slice %arg2[%mul3A_7, %dma_start3A] : memref<1280x128xi32, #tpu.memory_space<hbm>> -> memref<40x128xi32, #tpu.memory_space<hbm>>
      %dma_start3A_16 = arith.constant 0 : i32
      %dma_start3A_17 = tpu.memref_slice %arg2[%mul3A_7, %dma_start3A_16] : memref<1280x128xi32, #tpu.memory_space<hbm>> -> memref<40x128xi32, #tpu.memory_space<hbm>>
      tpu.enqueue_dma source(%dma_start3A_17 : memref<40x128xi32, #tpu.memory_space<hbm>>) target(%arg4 : memref<40x128xi32, #tpu.memory_space<vmem>>) target_semaphore(%run_scoped3A : memref<!tpu.dma_semaphore, #tpu.memory_space<semaphore_mem>>)
      %dma_wait3A = arith.constant 0 : i32
      %dma_wait3A_18 = tpu.memref_slice %arg2[%mul3A_7, %dma_wait3A] : memref<1280x128xi32, #tpu.memory_space<hbm>> -> memref<40x128xi32, #tpu.memory_space<hbm>>
      %dma_wait3A_19 = arith.constant 0 : i32
      %dma_wait3A_20 = tpu.memref_slice %arg2[%mul3A_7, %dma_wait3A_19] : memref<1280x128xi32, #tpu.memory_space<hbm>> -> memref<40x128xi32, #tpu.memory_space<hbm>>
      tpu.wait_dma2 semaphore(%run_scoped3A : memref<!tpu.dma_semaphore, #tpu.memory_space<semaphore_mem>>) src(%dma_wait3A_20 : memref<40x128xi32, #tpu.memory_space<hbm>>) dst(%arg4 : memref<40x128xi32, #tpu.memory_space<vmem>>)
      tpu.yield
    }) : () -> ()
    %broadcast_in_dim3A = arith.constant 1.000000e+00 : f32
    %broadcast_in_dim3A_8 = vector.broadcast %broadcast_in_dim3A : f32 to vector<16xf32>
    %scan3A_9 = arith.constant 0 : i32
    %scan3A_10 = arith.constant 0 : i32
    %scan3A_11 = arith.constant 40 : i32
    %scan3A_12 = arith.addi %scan3A_10, %scan3A_11 : i32
    %scan3A_13 = arith.constant 1 : i32
    scf.for %scan3A_15 = %scan3A_10 to %scan3A_12 step %scan3A_13  : i32 {
      %scan3A_16 = arith.constant 0 : i32
      %scan3A_17 = arith.constant 8 : i32
      %scan3A_18 = arith.addi %scan3A_16, %scan3A_17 : i32
      %scan3A_19 = arith.constant 1 : i32
      scf.for %scan3A_21 = %scan3A_16 to %scan3A_18 step %scan3A_19  : i32 {
        %mul3A_22 = arith.constant 16 : i32
        %mul3A_23 = arith.muli %scan3A_21, %mul3A_22 : i32
        %get3A = arith.index_cast %scan3A_15 : i32 to index
        %get3A_24 = arith.index_cast %mul3A_23 : i32 to index
        %get3A_25 = tpu.vector_load %arg4[%get3A, %get3A_24] {strides = array<i32>} : memref<40x128xi32, #tpu.memory_space<vmem>>, vector<16xi32>,
        tpu.vector_store_idx %arg5[%get3A_25], %broadcast_in_dim3A_8 {add = true} : memref<10240xf32, #tpu.memory_space<vmem>>[vector<16xi32>], vector<16xf32>,
      }
      %scan3A_20 = arith.constant 8 : i32
    }
    %scan3A_14 = arith.constant 40 : i32
    "tpu.region"() ({
      %run_scoped3A = tpu.sem_alloc : memref<!tpu.dma_semaphore, #tpu.memory_space<semaphore_mem>>
      %dma_start3A = arith.constant 0 : i32
      %dma_start3A_15 = tpu.memref_slice %arg3[%add3A, %dma_start3A] : memref<32x10240xf32, #tpu.memory_space<hbm>> -> memref<1x10240xf32, #tpu.memory_space<hbm>>
      %dma_start3A_16 = tpu.memref_squeeze %dma_start3A_15 : memref<1x10240xf32, #tpu.memory_space<hbm>> -> memref<10240xf32, #tpu.memory_space<hbm>>
      %dma_start3A_17 = arith.constant 0 : i32
      %dma_start3A_18 = tpu.memref_slice %arg3[%add3A, %dma_start3A_17] : memref<32x10240xf32, #tpu.memory_space<hbm>> -> memref<1x10240xf32, #tpu.memory_space<hbm>>
      %dma_start3A_19 = tpu.memref_squeeze %dma_start3A_18 : memref<1x10240xf32, #tpu.memory_space<hbm>> -> memref<10240xf32, #tpu.memory_space<hbm>>
      tpu.enqueue_dma source(%arg5 : memref<10240xf32, #tpu.memory_space<vmem>>) target(%dma_start3A_19 : memref<10240xf32, #tpu.memory_space<hbm>>) target_semaphore(%run_scoped3A : memref<!tpu.dma_semaphore, #tpu.memory_space<semaphore_mem>>)
      %dma_wait3A = arith.constant 0 : i32
      %dma_wait3A_20 = tpu.memref_slice %arg3[%add3A, %dma_wait3A] : memref<32x10240xf32, #tpu.memory_space<hbm>> -> memref<1x10240xf32, #tpu.memory_space<hbm>>
      %dma_wait3A_21 = tpu.memref_squeeze %dma_wait3A_20 : memref<1x10240xf32, #tpu.memory_space<hbm>> -> memref<10240xf32, #tpu.memory_space<hbm>>
      %dma_wait3A_22 = arith.constant 0 : i32
      %dma_wait3A_23 = tpu.memref_slice %arg3[%add3A, %dma_wait3A_22] : memref<32x10240xf32, #tpu.memory_space<hbm>> -> memref<1x10240xf32, #tpu.memory_space<hbm>>
      %dma_wait3A_24 = tpu.memref_squeeze %dma_wait3A_23 : memref<1x10240xf32, #tpu.memory_space<hbm>> -> memref<10240xf32, #tpu.memory_space<hbm>>
      tpu.wait_dma2 semaphore(%run_scoped3A : memref<!tpu.dma_semaphore, #tpu.memory_space<semaphore_mem>>) src(%arg5 : memref<10240xf32, #tpu.memory_space<vmem>>) dst(%dma_wait3A_24 : memref<10240xf32, #tpu.memory_space<hbm>>)
      tpu.yield
    }) : () -> ()
    return
  }
}

#map = affine_map<(d0, d1) -> (0, 0)>
#map1 = affine_map<(d0, d1) -> (0, 0, 0)>
module attributes {stable_mosaic.version = 14 : i64} {
  func.func @_sc_pass(%arg0: i32, %arg1: i32, %arg2: memref<10000x128xf32, #tpu.memory_space<hbm>>, %arg3: memref<1280x128xi32, #tpu.memory_space<hbm>>, %arg4: memref<1280x128xi32, #tpu.memory_space<hbm>>, %arg5: memref<640x128xf32, #tpu.memory_space<hbm>>, %arg6: memref<2x10240x128xf32, #tpu.memory_space<hbm>>, %arg7: memref<48x128xi32, #tpu.memory_space<vmem>>, %arg8: memref<48x128xi32, #tpu.memory_space<vmem>>, %arg9: memref<128x128xf32, #tpu.memory_space<vmem>>, %arg10: memref<128x128xf32, #tpu.memory_space<vmem>>, %arg11: memref<10240x128xf32, #tpu.memory_space<vmem_shared>>, %arg12: memref<!tpu.dma_semaphore, #tpu.memory_space<semaphore_mem>>) attributes {dimension_semantics = [#tpu.dimension_semantics<core_parallel>, #tpu.dimension_semantics<subcore_parallel>], iteration_bounds = array<i64: 2, 16>, scalar_prefetch = 0 : i64, scratch_operands = 6 : i64, tpu.core_type = #tpu.core_type<sc_vector_subcore>, window_params = [{transform_indices = #map}, {transform_indices = #map}, {transform_indices = #map}, {transform_indices = #map}, {transform_indices = #map1}]} {
    %mul3A = arith.constant 640 : i32
    %mul3A_0 = arith.muli %arg1, %mul3A : i32
    "tpu.region"() ({
      %run_scoped3A = tpu.sem_alloc : memref<!tpu.dma_semaphore, #tpu.memory_space<semaphore_mem>>
      %dma_start3A = arith.constant 0 : i32
      %dma_start3A_43 = tpu.memref_slice %arg11[%mul3A_0, %dma_start3A] : memref<10240x128xf32, #tpu.memory_space<vmem_shared>> -> memref<640x128xf32, #tpu.memory_space<vmem_shared>>
      tpu.enqueue_dma source(%arg5 : memref<640x128xf32, #tpu.memory_space<hbm>>) target(%dma_start3A_43 : memref<640x128xf32, #tpu.memory_space<vmem_shared>>) target_semaphore(%run_scoped3A : memref<!tpu.dma_semaphore, #tpu.memory_space<semaphore_mem>>)
      %dma_wait3A = arith.constant 0 : i32
      %dma_wait3A_44 = tpu.memref_slice %arg11[%mul3A_0, %dma_wait3A] : memref<10240x128xf32, #tpu.memory_space<vmem_shared>> -> memref<640x128xf32, #tpu.memory_space<vmem_shared>>
      tpu.wait_dma2 semaphore(%run_scoped3A : memref<!tpu.dma_semaphore, #tpu.memory_space<semaphore_mem>>) src(%arg5 : memref<640x128xf32, #tpu.memory_space<hbm>>) dst(%dma_wait3A_44 : memref<640x128xf32, #tpu.memory_space<vmem_shared>>)
      tpu.yield
    }) : () -> ()
    %eq3A = arith.constant 0 : i32
    %eq3A_1 = arith.cmpi eq, %arg0, %eq3A : i32
    %select_n3A = arith.constant 32 : i32
    %select_n3A_2 = arith.constant 48 : i32
    %select_n3A_3 = arith.select %eq3A_1, %select_n3A_2, %select_n3A : i32
    %eq3A_4 = arith.constant 0 : i32
    %eq3A_5 = arith.cmpi eq, %arg0, %eq3A_4 : i32
    %convert_element_type3A = arith.extui %eq3A_5 : i1 to i32
    %cond3A = arith.constant 0 : i32
    %cond3A_6 = arith.cmpi ne, %convert_element_type3A, %cond3A : i32
    scf.if %cond3A_6 {
      %mul3A_43 = arith.constant 48 : i32
      %mul3A_44 = arith.muli %arg1, %mul3A_43 : i32
      "tpu.region"() ({
        %run_scoped3A = tpu.sem_alloc : memref<!tpu.dma_semaphore, #tpu.memory_space<semaphore_mem>>
        %dma_start3A = arith.constant 0 : i32
        %dma_start3A_47 = arith.constant 0 : i32
        %dma_start3A_48 = tpu.memref_slice %arg7[%dma_start3A, %dma_start3A_47] : memref<48x128xi32, #tpu.memory_space<vmem>> -> memref<48x128xi32, #tpu.memory_space<vmem>>
        %dma_start3A_49 = arith.constant 0 : i32
        %dma_start3A_50 = tpu.memref_slice %arg3[%mul3A_44, %dma_start3A_49] : memref<1280x128xi32, #tpu.memory_space<hbm>> -> memref<48x128xi32, #tpu.memory_space<hbm>>
        %dma_start3A_51 = arith.constant 0 : i32
        %dma_start3A_52 = arith.constant 0 : i32
        %dma_start3A_53 = tpu.memref_slice %arg7[%dma_start3A_51, %dma_start3A_52] : memref<48x128xi32, #tpu.memory_space<vmem>> -> memref<48x128xi32, #tpu.memory_space<vmem>>
        %dma_start3A_54 = arith.constant 0 : i32
        %dma_start3A_55 = tpu.memref_slice %arg3[%mul3A_44, %dma_start3A_54] : memref<1280x128xi32, #tpu.memory_space<hbm>> -> memref<48x128xi32, #tpu.memory_space<hbm>>
        tpu.enqueue_dma source(%dma_start3A_55 : memref<48x128xi32, #tpu.memory_space<hbm>>) target(%dma_start3A_53 : memref<48x128xi32, #tpu.memory_space<vmem>>) target_semaphore(%run_scoped3A : memref<!tpu.dma_semaphore, #tpu.memory_space<semaphore_mem>>)
        %dma_wait3A = arith.constant 0 : i32
        %dma_wait3A_56 = arith.constant 0 : i32
        %dma_wait3A_57 = tpu.memref_slice %arg7[%dma_wait3A, %dma_wait3A_56] : memref<48x128xi32, #tpu.memory_space<vmem>> -> memref<48x128xi32, #tpu.memory_space<vmem>>
        %dma_wait3A_58 = arith.constant 0 : i32
        %dma_wait3A_59 = tpu.memref_slice %arg3[%mul3A_44, %dma_wait3A_58] : memref<1280x128xi32, #tpu.memory_space<hbm>> -> memref<48x128xi32, #tpu.memory_space<hbm>>
        %dma_wait3A_60 = arith.constant 0 : i32
        %dma_wait3A_61 = arith.constant 0 : i32
        %dma_wait3A_62 = tpu.memref_slice %arg7[%dma_wait3A_60, %dma_wait3A_61] : memref<48x128xi32, #tpu.memory_space<vmem>> -> memref<48x128xi32, #tpu.memory_space<vmem>>
        %dma_wait3A_63 = arith.constant 0 : i32
        %dma_wait3A_64 = tpu.memref_slice %arg3[%mul3A_44, %dma_wait3A_63] : memref<1280x128xi32, #tpu.memory_space<hbm>> -> memref<48x128xi32, #tpu.memory_space<hbm>>
        tpu.wait_dma2 semaphore(%run_scoped3A : memref<!tpu.dma_semaphore, #tpu.memory_space<semaphore_mem>>) src(%dma_wait3A_64 : memref<48x128xi32, #tpu.memory_space<hbm>>) dst(%dma_wait3A_62 : memref<48x128xi32, #tpu.memory_space<vmem>>)
        tpu.yield
      }) : () -> ()
      %mul3A_45 = arith.constant 48 : i32
      %mul3A_46 = arith.muli %arg1, %mul3A_45 : i32
      "tpu.region"() ({
        %run_scoped3A = tpu.sem_alloc : memref<!tpu.dma_semaphore, #tpu.memory_space<semaphore_mem>>
        %dma_start3A = arith.constant 0 : i32
        %dma_start3A_47 = arith.constant 0 : i32
        %dma_start3A_48 = tpu.memref_slice %arg8[%dma_start3A, %dma_start3A_47] : memref<48x128xi32, #tpu.memory_space<vmem>> -> memref<48x128xi32, #tpu.memory_space<vmem>>
        %dma_start3A_49 = arith.constant 0 : i32
        %dma_start3A_50 = tpu.memref_slice %arg4[%mul3A_46, %dma_start3A_49] : memref<1280x128xi32, #tpu.memory_space<hbm>> -> memref<48x128xi32, #tpu.memory_space<hbm>>
        %dma_start3A_51 = arith.constant 0 : i32
        %dma_start3A_52 = arith.constant 0 : i32
        %dma_start3A_53 = tpu.memref_slice %arg8[%dma_start3A_51, %dma_start3A_52] : memref<48x128xi32, #tpu.memory_space<vmem>> -> memref<48x128xi32, #tpu.memory_space<vmem>>
        %dma_start3A_54 = arith.constant 0 : i32
        %dma_start3A_55 = tpu.memref_slice %arg4[%mul3A_46, %dma_start3A_54] : memref<1280x128xi32, #tpu.memory_space<hbm>> -> memref<48x128xi32, #tpu.memory_space<hbm>>
        tpu.enqueue_dma source(%dma_start3A_55 : memref<48x128xi32, #tpu.memory_space<hbm>>) target(%dma_start3A_53 : memref<48x128xi32, #tpu.memory_space<vmem>>) target_semaphore(%run_scoped3A : memref<!tpu.dma_semaphore, #tpu.memory_space<semaphore_mem>>)
        %dma_wait3A = arith.constant 0 : i32
        %dma_wait3A_56 = arith.constant 0 : i32
        %dma_wait3A_57 = tpu.memref_slice %arg8[%dma_wait3A, %dma_wait3A_56] : memref<48x128xi32, #tpu.memory_space<vmem>> -> memref<48x128xi32, #tpu.memory_space<vmem>>
        %dma_wait3A_58 = arith.constant 0 : i32
        %dma_wait3A_59 = tpu.memref_slice %arg4[%mul3A_46, %dma_wait3A_58] : memref<1280x128xi32, #tpu.memory_space<hbm>> -> memref<48x128xi32, #tpu.memory_space<hbm>>
        %dma_wait3A_60 = arith.constant 0 : i32
        %dma_wait3A_61 = arith.constant 0 : i32
        %dma_wait3A_62 = tpu.memref_slice %arg8[%dma_wait3A_60, %dma_wait3A_61] : memref<48x128xi32, #tpu.memory_space<vmem>> -> memref<48x128xi32, #tpu.memory_space<vmem>>
        %dma_wait3A_63 = arith.constant 0 : i32
        %dma_wait3A_64 = tpu.memref_slice %arg4[%mul3A_46, %dma_wait3A_63] : memref<1280x128xi32, #tpu.memory_space<hbm>> -> memref<48x128xi32, #tpu.memory_space<hbm>>
        tpu.wait_dma2 semaphore(%run_scoped3A : memref<!tpu.dma_semaphore, #tpu.memory_space<semaphore_mem>>) src(%dma_wait3A_64 : memref<48x128xi32, #tpu.memory_space<hbm>>) dst(%dma_wait3A_62 : memref<48x128xi32, #tpu.memory_space<vmem>>)
        tpu.yield
      }) : () -> ()
    } else {
    }
    %eq3A_7 = arith.constant 1 : i32
    %eq3A_8 = arith.cmpi eq, %arg0, %eq3A_7 : i32
    %convert_element_type3A_9 = arith.extui %eq3A_8 : i1 to i32
    %cond3A_10 = arith.constant 0 : i32
    %cond3A_11 = arith.cmpi ne, %convert_element_type3A_9, %cond3A_10 : i32
    scf.if %cond3A_11 {
      %mul3A_43 = arith.constant 32 : i32
      %mul3A_44 = arith.muli %arg1, %mul3A_43 : i32
      %add3A = arith.constant 768 : i32
      %add3A_45 = arith.addi %add3A, %mul3A_44 : i32
      "tpu.region"() ({
        %run_scoped3A = tpu.sem_alloc : memref<!tpu.dma_semaphore, #tpu.memory_space<semaphore_mem>>
        %dma_start3A = arith.constant 0 : i32
        %dma_start3A_50 = arith.constant 0 : i32
        %dma_start3A_51 = tpu.memref_slice %arg7[%dma_start3A, %dma_start3A_50] : memref<48x128xi32, #tpu.memory_space<vmem>> -> memref<32x128xi32, #tpu.memory_space<vmem>>
        %dma_start3A_52 = arith.constant 0 : i32
        %dma_start3A_53 = tpu.memref_slice %arg3[%add3A_45, %dma_start3A_52] : memref<1280x128xi32, #tpu.memory_space<hbm>> -> memref<32x128xi32, #tpu.memory_space<hbm>>
        %dma_start3A_54 = arith.constant 0 : i32
        %dma_start3A_55 = arith.constant 0 : i32
        %dma_start3A_56 = tpu.memref_slice %arg7[%dma_start3A_54, %dma_start3A_55] : memref<48x128xi32, #tpu.memory_space<vmem>> -> memref<32x128xi32, #tpu.memory_space<vmem>>
        %dma_start3A_57 = arith.constant 0 : i32
        %dma_start3A_58 = tpu.memref_slice %arg3[%add3A_45, %dma_start3A_57] : memref<1280x128xi32, #tpu.memory_space<hbm>> -> memref<32x128xi32, #tpu.memory_space<hbm>>
        tpu.enqueue_dma source(%dma_start3A_58 : memref<32x128xi32, #tpu.memory_space<hbm>>) target(%dma_start3A_56 : memref<32x128xi32, #tpu.memory_space<vmem>>) target_semaphore(%run_scoped3A : memref<!tpu.dma_semaphore, #tpu.memory_space<semaphore_mem>>)
        %dma_wait3A = arith.constant 0 : i32
        %dma_wait3A_59 = arith.constant 0 : i32
        %dma_wait3A_60 = tpu.memref_slice %arg7[%dma_wait3A, %dma_wait3A_59] : memref<48x128xi32, #tpu.memory_space<vmem>> -> memref<32x128xi32, #tpu.memory_space<vmem>>
        %dma_wait3A_61 = arith.constant 0 : i32
        %dma_wait3A_62 = tpu.memref_slice %arg3[%add3A_45, %dma_wait3A_61] : memref<1280x128xi32, #tpu.memory_space<hbm>> -> memref<32x128xi32, #tpu.memory_space<hbm>>
        %dma_wait3A_63 = arith.constant 0 : i32
        %dma_wait3A_64 = arith.constant 0 : i32
        %dma_wait3A_65 = tpu.memref_slice %arg7[%dma_wait3A_63, %dma_wait3A_64] : memref<48x128xi32, #tpu.memory_space<vmem>> -> memref<32x128xi32, #tpu.memory_space<vmem>>
        %dma_wait3A_66 = arith.constant 0 : i32
        %dma_wait3A_67 = tpu.memref_slice %arg3[%add3A_45, %dma_wait3A_66] : memref<1280x128xi32, #tpu.memory_space<hbm>> -> memref<32x128xi32, #tpu.memory_space<hbm>>
        tpu.wait_dma2 semaphore(%run_scoped3A : memref<!tpu.dma_semaphore, #tpu.memory_space<semaphore_mem>>) src(%dma_wait3A_67 : memref<32x128xi32, #tpu.memory_space<hbm>>) dst(%dma_wait3A_65 : memref<32x128xi32, #tpu.memory_space<vmem>>)
        tpu.yield
      }) : () -> ()
      %mul3A_46 = arith.constant 32 : i32
      %mul3A_47 = arith.muli %arg1, %mul3A_46 : i32
      %add3A_48 = arith.constant 768 : i32
      %add3A_49 = arith.addi %add3A_48, %mul3A_47 : i32
      "tpu.region"() ({
        %run_scoped3A = tpu.sem_alloc : memref<!tpu.dma_semaphore, #tpu.memory_space<semaphore_mem>>
        %dma_start3A = arith.constant 0 : i32
        %dma_start3A_50 = arith.constant 0 : i32
        %dma_start3A_51 = tpu.memref_slice %arg8[%dma_start3A, %dma_start3A_50] : memref<48x128xi32, #tpu.memory_space<vmem>> -> memref<32x128xi32, #tpu.memory_space<vmem>>
        %dma_start3A_52 = arith.constant 0 : i32
        %dma_start3A_53 = tpu.memref_slice %arg4[%add3A_49, %dma_start3A_52] : memref<1280x128xi32, #tpu.memory_space<hbm>> -> memref<32x128xi32, #tpu.memory_space<hbm>>
        %dma_start3A_54 = arith.constant 0 : i32
        %dma_start3A_55 = arith.constant 0 : i32
        %dma_start3A_56 = tpu.memref_slice %arg8[%dma_start3A_54, %dma_start3A_55] : memref<48x128xi32, #tpu.memory_space<vmem>> -> memref<32x128xi32, #tpu.memory_space<vmem>>
        %dma_start3A_57 = arith.constant 0 : i32
        %dma_start3A_58 = tpu.memref_slice %arg4[%add3A_49, %dma_start3A_57] : memref<1280x128xi32, #tpu.memory_space<hbm>> -> memref<32x128xi32, #tpu.memory_space<hbm>>
        tpu.enqueue_dma source(%dma_start3A_58 : memref<32x128xi32, #tpu.memory_space<hbm>>) target(%dma_start3A_56 : memref<32x128xi32, #tpu.memory_space<vmem>>) target_semaphore(%run_scoped3A : memref<!tpu.dma_semaphore, #tpu.memory_space<semaphore_mem>>)
        %dma_wait3A = arith.constant 0 : i32
        %dma_wait3A_59 = arith.constant 0 : i32
        %dma_wait3A_60 = tpu.memref_slice %arg8[%dma_wait3A, %dma_wait3A_59] : memref<48x128xi32, #tpu.memory_space<vmem>> -> memref<32x128xi32, #tpu.memory_space<vmem>>
        %dma_wait3A_61 = arith.constant 0 : i32
        %dma_wait3A_62 = tpu.memref_slice %arg4[%add3A_49, %dma_wait3A_61] : memref<1280x128xi32, #tpu.memory_space<hbm>> -> memref<32x128xi32, #tpu.memory_space<hbm>>
        %dma_wait3A_63 = arith.constant 0 : i32
        %dma_wait3A_64 = arith.constant 0 : i32
        %dma_wait3A_65 = tpu.memref_slice %arg8[%dma_wait3A_63, %dma_wait3A_64] : memref<48x128xi32, #tpu.memory_space<vmem>> -> memref<32x128xi32, #tpu.memory_space<vmem>>
        %dma_wait3A_66 = arith.constant 0 : i32
        %dma_wait3A_67 = tpu.memref_slice %arg4[%add3A_49, %dma_wait3A_66] : memref<1280x128xi32, #tpu.memory_space<hbm>> -> memref<32x128xi32, #tpu.memory_space<hbm>>
        tpu.wait_dma2 semaphore(%run_scoped3A : memref<!tpu.dma_semaphore, #tpu.memory_space<semaphore_mem>>) src(%dma_wait3A_67 : memref<32x128xi32, #tpu.memory_space<hbm>>) dst(%dma_wait3A_65 : memref<32x128xi32, #tpu.memory_space<vmem>>)
        tpu.yield
      }) : () -> ()
    } else {
    }
    %barrier3A = arith.constant 0 : index
    tpu.barrier barrier_id(%barrier3A)
    %jit3A = arith.constant 2 : i32
    %div3A = arith.divsi %select_n3A_3, %jit3A : i32
    %sign3A = arith.constant 0 : i32
    %sign3A_12 = arith.cmpi sgt, %select_n3A_3, %sign3A : i32
    %sign3A_13 = arith.extui %sign3A_12 : i1 to i32
    %sign3A_14 = arith.constant 0 : i32
    %sign3A_15 = arith.cmpi slt, %select_n3A_3, %sign3A_14 : i32
    %sign3A_16 = arith.extui %sign3A_15 : i1 to i32
    %sign3A_17 = arith.subi %sign3A_13, %sign3A_16 : i32
    %sign3A_18 = arith.constant 0 : i32
    %sign3A_19 = arith.cmpi sgt, %jit3A, %sign3A_18 : i32
    %sign3A_20 = arith.extui %sign3A_19 : i1 to i32
    %sign3A_21 = arith.constant 0 : i32
    %sign3A_22 = arith.cmpi slt, %jit3A, %sign3A_21 : i32
    %sign3A_23 = arith.extui %sign3A_22 : i1 to i32
    %sign3A_24 = arith.subi %sign3A_20, %sign3A_23 : i32
    %ne3A = arith.cmpi ne, %sign3A_17, %sign3A_24 : i32
    %rem3A = arith.remsi %select_n3A_3, %jit3A : i32
    %ne3A_25 = arith.constant 0 : i32
    %ne3A_26 = arith.cmpi ne, %rem3A, %ne3A_25 : i32
    %and3A = arith.andi %ne3A, %ne3A_26 : i1
    %sub3A = arith.constant 1 : i32
    %sub3A_27 = arith.subi %div3A, %sub3A : i32
    %select_n3A_28 = arith.select %and3A, %sub3A_27, %div3A : i32
    %while3A = arith.constant 0 : i32
    %while3A_29 = arith.constant 0 : i32
    %while3A_30 = arith.subi %select_n3A_28, %while3A_29 : i32
    %while3A_31 = arith.addi %while3A_29, %while3A_30 : i32
    %while3A_32 = arith.constant 1 : i32
    %while3A_33 = arith.divsi %while3A_30, %while3A_32 : i32
    %while3A_34 = arith.muli %while3A_33, %while3A_32 : i32
    %while3A_35 = arith.addi %while3A_29, %while3A_34 : i32
    %while3A_36 = arith.constant 1 : i32
    scf.for %while3A_43 = %while3A_29 to %while3A_35 step %while3A_36  : i32 {
      %mul3A_44 = arith.constant 2 : i32
      %mul3A_45 = arith.muli %while3A_43, %mul3A_44 : i32
      %dma_start3A = arith.constant 0 : i32
      %dma_start3A_46 = tpu.memref_slice %arg7[%mul3A_45, %dma_start3A] : memref<48x128xi32, #tpu.memory_space<vmem>> -> memref<1x128xi32, #tpu.memory_space<vmem>>
      %dma_start3A_47 = tpu.memref_squeeze %dma_start3A_46 : memref<1x128xi32, #tpu.memory_space<vmem>> -> memref<128xi32, #tpu.memory_space<vmem>>
      %dma_start3A_48 = arith.constant 0 : i32
      %dma_start3A_49 = arith.constant 0 : i32
      %dma_start3A_50 = tpu.memref_slice %arg2[%dma_start3A_48, %dma_start3A_49] : memref<10000x128xf32, #tpu.memory_space<hbm>> -> memref<10000x128xf32, #tpu.memory_space<hbm>>
      tpu.enqueue_indirect_dma source(%dma_start3A_50 : memref<10000x128xf32, #tpu.memory_space<hbm>>) target(%arg9 : memref<128x128xf32, #tpu.memory_space<vmem>>) offsets(%dma_start3A_47 : memref<128xi32, #tpu.memory_space<vmem>>) semaphore(%arg12 : memref<!tpu.dma_semaphore, #tpu.memory_space<semaphore_mem>>)
      %add3A = arith.constant 1 : i32
      %add3A_51 = arith.addi %mul3A_45, %add3A : i32
      %dma_start3A_52 = arith.constant 0 : i32
      %dma_start3A_53 = tpu.memref_slice %arg7[%add3A_51, %dma_start3A_52] : memref<48x128xi32, #tpu.memory_space<vmem>> -> memref<1x128xi32, #tpu.memory_space<vmem>>
      %dma_start3A_54 = tpu.memref_squeeze %dma_start3A_53 : memref<1x128xi32, #tpu.memory_space<vmem>> -> memref<128xi32, #tpu.memory_space<vmem>>
      %dma_start3A_55 = arith.constant 0 : i32
      %dma_start3A_56 = arith.constant 0 : i32
      %dma_start3A_57 = tpu.memref_slice %arg2[%dma_start3A_55, %dma_start3A_56] : memref<10000x128xf32, #tpu.memory_space<hbm>> -> memref<10000x128xf32, #tpu.memory_space<hbm>>
      tpu.enqueue_indirect_dma source(%dma_start3A_57 : memref<10000x128xf32, #tpu.memory_space<hbm>>) target(%arg10 : memref<128x128xf32, #tpu.memory_space<vmem>>) offsets(%dma_start3A_54 : memref<128xi32, #tpu.memory_space<vmem>>) semaphore(%arg12 : memref<!tpu.dma_semaphore, #tpu.memory_space<semaphore_mem>>)
      %dma_wait3A = arith.constant 0 : i32
      %dma_wait3A_58 = tpu.memref_slice %arg7[%mul3A_45, %dma_wait3A] : memref<48x128xi32, #tpu.memory_space<vmem>> -> memref<1x128xi32, #tpu.memory_space<vmem>>
      %dma_wait3A_59 = tpu.memref_squeeze %dma_wait3A_58 : memref<1x128xi32, #tpu.memory_space<vmem>> -> memref<128xi32, #tpu.memory_space<vmem>>
      %dma_wait3A_60 = arith.constant 0 : i32
      %dma_wait3A_61 = arith.constant 0 : i32
      %dma_wait3A_62 = tpu.memref_slice %arg2[%dma_wait3A_60, %dma_wait3A_61] : memref<10000x128xf32, #tpu.memory_space<hbm>> -> memref<10000x128xf32, #tpu.memory_space<hbm>>
      tpu.wait_indirect_dma semaphore(%arg12 : memref<!tpu.dma_semaphore, #tpu.memory_space<semaphore_mem>>) src(%dma_wait3A_62 : memref<10000x128xf32, #tpu.memory_space<hbm>>) dst(%arg9 : memref<128x128xf32, #tpu.memory_space<vmem>>)
      "tpu.region"() ({
        %run_scoped3A = tpu.sem_alloc : memref<!tpu.dma_semaphore, #tpu.memory_space<semaphore_mem>>
        %dma_start3A_73 = arith.constant 0 : i32
        %dma_start3A_74 = tpu.memref_slice %arg8[%mul3A_45, %dma_start3A_73] : memref<48x128xi32, #tpu.memory_space<vmem>> -> memref<1x128xi32, #tpu.memory_space<vmem>>
        %dma_start3A_75 = tpu.memref_squeeze %dma_start3A_74 : memref<1x128xi32, #tpu.memory_space<vmem>> -> memref<128xi32, #tpu.memory_space<vmem>>
        %dma_start3A_76 = arith.constant 0 : i32
        %dma_start3A_77 = arith.constant 0 : i32
        %dma_start3A_78 = tpu.memref_slice %arg11[%dma_start3A_76, %dma_start3A_77] : memref<10240x128xf32, #tpu.memory_space<vmem_shared>> -> memref<10240x128xf32, #tpu.memory_space<vmem_shared>>
        tpu.enqueue_indirect_dma source(%arg9 : memref<128x128xf32, #tpu.memory_space<vmem>>) target(%dma_start3A_78 : memref<10240x128xf32, #tpu.memory_space<vmem_shared>>) offsets(%dma_start3A_75 : memref<128xi32, #tpu.memory_space<vmem>>) semaphore(%run_scoped3A : memref<!tpu.dma_semaphore, #tpu.memory_space<semaphore_mem>>) {add = true}
        %dma_wait3A_79 = arith.constant 0 : i32
        %dma_wait3A_80 = tpu.memref_slice %arg8[%mul3A_45, %dma_wait3A_79] : memref<48x128xi32, #tpu.memory_space<vmem>> -> memref<1x128xi32, #tpu.memory_space<vmem>>
        %dma_wait3A_81 = tpu.memref_squeeze %dma_wait3A_80 : memref<1x128xi32, #tpu.memory_space<vmem>> -> memref<128xi32, #tpu.memory_space<vmem>>
        %dma_wait3A_82 = arith.constant 0 : i32
        %dma_wait3A_83 = arith.constant 0 : i32
        %dma_wait3A_84 = tpu.memref_slice %arg11[%dma_wait3A_82, %dma_wait3A_83] : memref<10240x128xf32, #tpu.memory_space<vmem_shared>> -> memref<10240x128xf32, #tpu.memory_space<vmem_shared>>
        tpu.wait_indirect_dma semaphore(%run_scoped3A : memref<!tpu.dma_semaphore, #tpu.memory_space<semaphore_mem>>) src(%arg9 : memref<128x128xf32, #tpu.memory_space<vmem>>) dst(%dma_wait3A_84 : memref<10240x128xf32, #tpu.memory_space<vmem_shared>>)
        tpu.yield
      }) : () -> ()
      %add3A_63 = arith.constant 1 : i32
      %add3A_64 = arith.addi %mul3A_45, %add3A_63 : i32
      %dma_wait3A_65 = arith.constant 0 : i32
      %dma_wait3A_66 = tpu.memref_slice %arg7[%add3A_64, %dma_wait3A_65] : memref<48x128xi32, #tpu.memory_space<vmem>> -> memref<1x128xi32, #tpu.memory_space<vmem>>
      %dma_wait3A_67 = tpu.memref_squeeze %dma_wait3A_66 : memref<1x128xi32, #tpu.memory_space<vmem>> -> memref<128xi32, #tpu.memory_space<vmem>>
      %dma_wait3A_68 = arith.constant 0 : i32
      %dma_wait3A_69 = arith.constant 0 : i32
      %dma_wait3A_70 = tpu.memref_slice %arg2[%dma_wait3A_68, %dma_wait3A_69] : memref<10000x128xf32, #tpu.memory_space<hbm>> -> memref<10000x128xf32, #tpu.memory_space<hbm>>
      tpu.wait_indirect_dma semaphore(%arg12 : memref<!tpu.dma_semaphore, #tpu.memory_space<semaphore_mem>>) src(%dma_wait3A_70 : memref<10000x128xf32, #tpu.memory_space<hbm>>) dst(%arg10 : memref<128x128xf32, #tpu.memory_space<vmem>>)
      %add3A_71 = arith.constant 1 : i32
      %add3A_72 = arith.addi %mul3A_45, %add3A_71 : i32
      "tpu.region"() ({
        %run_scoped3A = tpu.sem_alloc : memref<!tpu.dma_semaphore, #tpu.memory_space<semaphore_mem>>
        %dma_start3A_73 = arith.constant 0 : i32
        %dma_start3A_74 = tpu.memref_slice %arg8[%add3A_72, %dma_start3A_73] : memref<48x128xi32, #tpu.memory_space<vmem>> -> memref<1x128xi32, #tpu.memory_space<vmem>>
        %dma_start3A_75 = tpu.memref_squeeze %dma_start3A_74 : memref<1x128xi32, #tpu.memory_space<vmem>> -> memref<128xi32, #tpu.memory_space<vmem>>
        %dma_start3A_76 = arith.constant 0 : i32
        %dma_start3A_77 = arith.constant 0 : i32
        %dma_start3A_78 = tpu.memref_slice %arg11[%dma_start3A_76, %dma_start3A_77] : memref<10240x128xf32, #tpu.memory_space<vmem_shared>> -> memref<10240x128xf32, #tpu.memory_space<vmem_shared>>
        tpu.enqueue_indirect_dma source(%arg10 : memref<128x128xf32, #tpu.memory_space<vmem>>) target(%dma_start3A_78 : memref<10240x128xf32, #tpu.memory_space<vmem_shared>>) offsets(%dma_start3A_75 : memref<128xi32, #tpu.memory_space<vmem>>) semaphore(%run_scoped3A : memref<!tpu.dma_semaphore, #tpu.memory_space<semaphore_mem>>) {add = true}
        %dma_wait3A_79 = arith.constant 0 : i32
        %dma_wait3A_80 = tpu.memref_slice %arg8[%add3A_72, %dma_wait3A_79] : memref<48x128xi32, #tpu.memory_space<vmem>> -> memref<1x128xi32, #tpu.memory_space<vmem>>
        %dma_wait3A_81 = tpu.memref_squeeze %dma_wait3A_80 : memref<1x128xi32, #tpu.memory_space<vmem>> -> memref<128xi32, #tpu.memory_space<vmem>>
        %dma_wait3A_82 = arith.constant 0 : i32
        %dma_wait3A_83 = arith.constant 0 : i32
        %dma_wait3A_84 = tpu.memref_slice %arg11[%dma_wait3A_82, %dma_wait3A_83] : memref<10240x128xf32, #tpu.memory_space<vmem_shared>> -> memref<10240x128xf32, #tpu.memory_space<vmem_shared>>
        tpu.wait_indirect_dma semaphore(%run_scoped3A : memref<!tpu.dma_semaphore, #tpu.memory_space<semaphore_mem>>) src(%arg10 : memref<128x128xf32, #tpu.memory_space<vmem>>) dst(%dma_wait3A_84 : memref<10240x128xf32, #tpu.memory_space<vmem_shared>>)
        tpu.yield
      }) : () -> ()
    }
    %while3A_37 = arith.constant 1 : i32
    scf.for %while3A_43 = %while3A_35 to %while3A_31 step %while3A_37  : i32 {
      %mul3A_44 = arith.constant 2 : i32
      %mul3A_45 = arith.muli %while3A_43, %mul3A_44 : i32
      %dma_start3A = arith.constant 0 : i32
      %dma_start3A_46 = tpu.memref_slice %arg7[%mul3A_45, %dma_start3A] : memref<48x128xi32, #tpu.memory_space<vmem>> -> memref<1x128xi32, #tpu.memory_space<vmem>>
      %dma_start3A_47 = tpu.memref_squeeze %dma_start3A_46 : memref<1x128xi32, #tpu.memory_space<vmem>> -> memref<128xi32, #tpu.memory_space<vmem>>
      %dma_start3A_48 = arith.constant 0 : i32
      %dma_start3A_49 = arith.constant 0 : i32
      %dma_start3A_50 = tpu.memref_slice %arg2[%dma_start3A_48, %dma_start3A_49] : memref<10000x128xf32, #tpu.memory_space<hbm>> -> memref<10000x128xf32, #tpu.memory_space<hbm>>
      tpu.enqueue_indirect_dma source(%dma_start3A_50 : memref<10000x128xf32, #tpu.memory_space<hbm>>) target(%arg9 : memref<128x128xf32, #tpu.memory_space<vmem>>) offsets(%dma_start3A_47 : memref<128xi32, #tpu.memory_space<vmem>>) semaphore(%arg12 : memref<!tpu.dma_semaphore, #tpu.memory_space<semaphore_mem>>)
      %add3A = arith.constant 1 : i32
      %add3A_51 = arith.addi %mul3A_45, %add3A : i32
      %dma_start3A_52 = arith.constant 0 : i32
      %dma_start3A_53 = tpu.memref_slice %arg7[%add3A_51, %dma_start3A_52] : memref<48x128xi32, #tpu.memory_space<vmem>> -> memref<1x128xi32, #tpu.memory_space<vmem>>
      %dma_start3A_54 = tpu.memref_squeeze %dma_start3A_53 : memref<1x128xi32, #tpu.memory_space<vmem>> -> memref<128xi32, #tpu.memory_space<vmem>>
      %dma_start3A_55 = arith.constant 0 : i32
      %dma_start3A_56 = arith.constant 0 : i32
      %dma_start3A_57 = tpu.memref_slice %arg2[%dma_start3A_55, %dma_start3A_56] : memref<10000x128xf32, #tpu.memory_space<hbm>> -> memref<10000x128xf32, #tpu.memory_space<hbm>>
      tpu.enqueue_indirect_dma source(%dma_start3A_57 : memref<10000x128xf32, #tpu.memory_space<hbm>>) target(%arg10 : memref<128x128xf32, #tpu.memory_space<vmem>>) offsets(%dma_start3A_54 : memref<128xi32, #tpu.memory_space<vmem>>) semaphore(%arg12 : memref<!tpu.dma_semaphore, #tpu.memory_space<semaphore_mem>>)
      %dma_wait3A = arith.constant 0 : i32
      %dma_wait3A_58 = tpu.memref_slice %arg7[%mul3A_45, %dma_wait3A] : memref<48x128xi32, #tpu.memory_space<vmem>> -> memref<1x128xi32, #tpu.memory_space<vmem>>
      %dma_wait3A_59 = tpu.memref_squeeze %dma_wait3A_58 : memref<1x128xi32, #tpu.memory_space<vmem>> -> memref<128xi32, #tpu.memory_space<vmem>>
      %dma_wait3A_60 = arith.constant 0 : i32
      %dma_wait3A_61 = arith.constant 0 : i32
      %dma_wait3A_62 = tpu.memref_slice %arg2[%dma_wait3A_60, %dma_wait3A_61] : memref<10000x128xf32, #tpu.memory_space<hbm>> -> memref<10000x128xf32, #tpu.memory_space<hbm>>
      tpu.wait_indirect_dma semaphore(%arg12 : memref<!tpu.dma_semaphore, #tpu.memory_space<semaphore_mem>>) src(%dma_wait3A_62 : memref<10000x128xf32, #tpu.memory_space<hbm>>) dst(%arg9 : memref<128x128xf32, #tpu.memory_space<vmem>>)
      "tpu.region"() ({
        %run_scoped3A = tpu.sem_alloc : memref<!tpu.dma_semaphore, #tpu.memory_space<semaphore_mem>>
        %dma_start3A_73 = arith.constant 0 : i32
        %dma_start3A_74 = tpu.memref_slice %arg8[%mul3A_45, %dma_start3A_73] : memref<48x128xi32, #tpu.memory_space<vmem>> -> memref<1x128xi32, #tpu.memory_space<vmem>>
        %dma_start3A_75 = tpu.memref_squeeze %dma_start3A_74 : memref<1x128xi32, #tpu.memory_space<vmem>> -> memref<128xi32, #tpu.memory_space<vmem>>
        %dma_start3A_76 = arith.constant 0 : i32
        %dma_start3A_77 = arith.constant 0 : i32
        %dma_start3A_78 = tpu.memref_slice %arg11[%dma_start3A_76, %dma_start3A_77] : memref<10240x128xf32, #tpu.memory_space<vmem_shared>> -> memref<10240x128xf32, #tpu.memory_space<vmem_shared>>
        tpu.enqueue_indirect_dma source(%arg9 : memref<128x128xf32, #tpu.memory_space<vmem>>) target(%dma_start3A_78 : memref<10240x128xf32, #tpu.memory_space<vmem_shared>>) offsets(%dma_start3A_75 : memref<128xi32, #tpu.memory_space<vmem>>) semaphore(%run_scoped3A : memref<!tpu.dma_semaphore, #tpu.memory_space<semaphore_mem>>) {add = true}
        %dma_wait3A_79 = arith.constant 0 : i32
        %dma_wait3A_80 = tpu.memref_slice %arg8[%mul3A_45, %dma_wait3A_79] : memref<48x128xi32, #tpu.memory_space<vmem>> -> memref<1x128xi32, #tpu.memory_space<vmem>>
        %dma_wait3A_81 = tpu.memref_squeeze %dma_wait3A_80 : memref<1x128xi32, #tpu.memory_space<vmem>> -> memref<128xi32, #tpu.memory_space<vmem>>
        %dma_wait3A_82 = arith.constant 0 : i32
        %dma_wait3A_83 = arith.constant 0 : i32
        %dma_wait3A_84 = tpu.memref_slice %arg11[%dma_wait3A_82, %dma_wait3A_83] : memref<10240x128xf32, #tpu.memory_space<vmem_shared>> -> memref<10240x128xf32, #tpu.memory_space<vmem_shared>>
        tpu.wait_indirect_dma semaphore(%run_scoped3A : memref<!tpu.dma_semaphore, #tpu.memory_space<semaphore_mem>>) src(%arg9 : memref<128x128xf32, #tpu.memory_space<vmem>>) dst(%dma_wait3A_84 : memref<10240x128xf32, #tpu.memory_space<vmem_shared>>)
        tpu.yield
      }) : () -> ()
      %add3A_63 = arith.constant 1 : i32
      %add3A_64 = arith.addi %mul3A_45, %add3A_63 : i32
      %dma_wait3A_65 = arith.constant 0 : i32
      %dma_wait3A_66 = tpu.memref_slice %arg7[%add3A_64, %dma_wait3A_65] : memref<48x128xi32, #tpu.memory_space<vmem>> -> memref<1x128xi32, #tpu.memory_space<vmem>>
      %dma_wait3A_67 = tpu.memref_squeeze %dma_wait3A_66 : memref<1x128xi32, #tpu.memory_space<vmem>> -> memref<128xi32, #tpu.memory_space<vmem>>
      %dma_wait3A_68 = arith.constant 0 : i32
      %dma_wait3A_69 = arith.constant 0 : i32
      %dma_wait3A_70 = tpu.memref_slice %arg2[%dma_wait3A_68, %dma_wait3A_69] : memref<10000x128xf32, #tpu.memory_space<hbm>> -> memref<10000x128xf32, #tpu.memory_space<hbm>>
      tpu.wait_indirect_dma semaphore(%arg12 : memref<!tpu.dma_semaphore, #tpu.memory_space<semaphore_mem>>) src(%dma_wait3A_70 : memref<10000x128xf32, #tpu.memory_space<hbm>>) dst(%arg10 : memref<128x128xf32, #tpu.memory_space<vmem>>)
      %add3A_71 = arith.constant 1 : i32
      %add3A_72 = arith.addi %mul3A_45, %add3A_71 : i32
      "tpu.region"() ({
        %run_scoped3A = tpu.sem_alloc : memref<!tpu.dma_semaphore, #tpu.memory_space<semaphore_mem>>
        %dma_start3A_73 = arith.constant 0 : i32
        %dma_start3A_74 = tpu.memref_slice %arg8[%add3A_72, %dma_start3A_73] : memref<48x128xi32, #tpu.memory_space<vmem>> -> memref<1x128xi32, #tpu.memory_space<vmem>>
        %dma_start3A_75 = tpu.memref_squeeze %dma_start3A_74 : memref<1x128xi32, #tpu.memory_space<vmem>> -> memref<128xi32, #tpu.memory_space<vmem>>
        %dma_start3A_76 = arith.constant 0 : i32
        %dma_start3A_77 = arith.constant 0 : i32
        %dma_start3A_78 = tpu.memref_slice %arg11[%dma_start3A_76, %dma_start3A_77] : memref<10240x128xf32, #tpu.memory_space<vmem_shared>> -> memref<10240x128xf32, #tpu.memory_space<vmem_shared>>
        tpu.enqueue_indirect_dma source(%arg10 : memref<128x128xf32, #tpu.memory_space<vmem>>) target(%dma_start3A_78 : memref<10240x128xf32, #tpu.memory_space<vmem_shared>>) offsets(%dma_start3A_75 : memref<128xi32, #tpu.memory_space<vmem>>) semaphore(%run_scoped3A : memref<!tpu.dma_semaphore, #tpu.memory_space<semaphore_mem>>) {add = true}
        %dma_wait3A_79 = arith.constant 0 : i32
        %dma_wait3A_80 = tpu.memref_slice %arg8[%add3A_72, %dma_wait3A_79] : memref<48x128xi32, #tpu.memory_space<vmem>> -> memref<1x128xi32, #tpu.memory_space<vmem>>
        %dma_wait3A_81 = tpu.memref_squeeze %dma_wait3A_80 : memref<1x128xi32, #tpu.memory_space<vmem>> -> memref<128xi32, #tpu.memory_space<vmem>>
        %dma_wait3A_82 = arith.constant 0 : i32
        %dma_wait3A_83 = arith.constant 0 : i32
        %dma_wait3A_84 = tpu.memref_slice %arg11[%dma_wait3A_82, %dma_wait3A_83] : memref<10240x128xf32, #tpu.memory_space<vmem_shared>> -> memref<10240x128xf32, #tpu.memory_space<vmem_shared>>
        tpu.wait_indirect_dma semaphore(%run_scoped3A : memref<!tpu.dma_semaphore, #tpu.memory_space<semaphore_mem>>) src(%arg10 : memref<128x128xf32, #tpu.memory_space<vmem>>) dst(%dma_wait3A_84 : memref<10240x128xf32, #tpu.memory_space<vmem_shared>>)
        tpu.yield
      }) : () -> ()
    }
    %barrier3A_38 = arith.constant 0 : index
    tpu.barrier barrier_id(%barrier3A_38)
    %mul3A_39 = arith.constant 640 : i32
    %mul3A_40 = arith.muli %arg1, %mul3A_39 : i32
    %mul3A_41 = arith.constant 640 : i32
    %mul3A_42 = arith.muli %arg1, %mul3A_41 : i32
    "tpu.region"() ({
      %run_scoped3A = tpu.sem_alloc : memref<!tpu.dma_semaphore, #tpu.memory_space<semaphore_mem>>
      %dma_start3A = arith.constant 0 : i32
      %dma_start3A_43 = arith.constant 0 : i32
      %dma_start3A_44 = tpu.memref_slice %arg6[%arg0, %dma_start3A, %dma_start3A_43] : memref<2x10240x128xf32, #tpu.memory_space<hbm>> -> memref<1x10240x128xf32, #tpu.memory_space<hbm>>
      %dma_start3A_45 = tpu.memref_squeeze %dma_start3A_44 : memref<1x10240x128xf32, #tpu.memory_space<hbm>> -> memref<10240x128xf32, #tpu.memory_space<hbm>>
      %dma_start3A_46 = arith.constant 0 : i32
      %dma_start3A_47 = tpu.memref_slice %dma_start3A_45[%mul3A_42, %dma_start3A_46] : memref<10240x128xf32, #tpu.memory_space<hbm>> -> memref<640x128xf32, #tpu.memory_space<hbm>>
      %dma_start3A_48 = arith.constant 0 : i32
      %dma_start3A_49 = tpu.memref_slice %arg11[%mul3A_40, %dma_start3A_48] : memref<10240x128xf32, #tpu.memory_space<vmem_shared>> -> memref<640x128xf32, #tpu.memory_space<vmem_shared>>
      tpu.enqueue_dma source(%dma_start3A_49 : memref<640x128xf32, #tpu.memory_space<vmem_shared>>) target(%dma_start3A_47 : memref<640x128xf32, #tpu.memory_space<hbm>>) target_semaphore(%run_scoped3A : memref<!tpu.dma_semaphore, #tpu.memory_space<semaphore_mem>>)
      %dma_wait3A = arith.constant 0 : i32
      %dma_wait3A_50 = arith.constant 0 : i32
      %dma_wait3A_51 = tpu.memref_slice %arg6[%arg0, %dma_wait3A, %dma_wait3A_50] : memref<2x10240x128xf32, #tpu.memory_space<hbm>> -> memref<1x10240x128xf32, #tpu.memory_space<hbm>>
      %dma_wait3A_52 = tpu.memref_squeeze %dma_wait3A_51 : memref<1x10240x128xf32, #tpu.memory_space<hbm>> -> memref<10240x128xf32, #tpu.memory_space<hbm>>
      %dma_wait3A_53 = arith.constant 0 : i32
      %dma_wait3A_54 = tpu.memref_slice %dma_wait3A_52[%mul3A_42, %dma_wait3A_53] : memref<10240x128xf32, #tpu.memory_space<hbm>> -> memref<640x128xf32, #tpu.memory_space<hbm>>
      %dma_wait3A_55 = arith.constant 0 : i32
      %dma_wait3A_56 = tpu.memref_slice %arg11[%mul3A_40, %dma_wait3A_55] : memref<10240x128xf32, #tpu.memory_space<vmem_shared>> -> memref<640x128xf32, #tpu.memory_space<vmem_shared>>
      tpu.wait_dma2 semaphore(%run_scoped3A : memref<!tpu.dma_semaphore, #tpu.memory_space<semaphore_mem>>) src(%dma_wait3A_56 : memref<640x128xf32, #tpu.memory_space<vmem_shared>>) dst(%dma_wait3A_54 : memref<640x128xf32, #tpu.memory_space<hbm>>)
      tpu.yield
    }) : () -> ()
    return
  }
}

#map = affine_map<(d0, d1) -> (0, 0)>
#map1 = affine_map<(d0, d1) -> (0, 0, 0)>
module attributes {stable_mosaic.version = 14 : i64} {
  func.func @_sc_pass(%arg0: i32, %arg1: i32, %arg2: memref<10000x128xf32, #tpu.memory_space<hbm>>, %arg3: memref<1280x128xi32, #tpu.memory_space<hbm>>, %arg4: memref<1280x128xi32, #tpu.memory_space<hbm>>, %arg5: memref<640x128xf32, #tpu.memory_space<hbm>>, %arg6: memref<2x10240x128xf32, #tpu.memory_space<hbm>>, %arg7: memref<48x128xi32, #tpu.memory_space<vmem>>, %arg8: memref<48x128xi32, #tpu.memory_space<vmem>>, %arg9: memref<128x128xf32, #tpu.memory_space<vmem>>, %arg10: memref<128x128xf32, #tpu.memory_space<vmem>>, %arg11: memref<10240x128xf32, #tpu.memory_space<vmem_shared>>, %arg12: memref<!tpu.dma_semaphore, #tpu.memory_space<semaphore_mem>>) attributes {dimension_semantics = [#tpu.dimension_semantics<core_parallel>, #tpu.dimension_semantics<subcore_parallel>], iteration_bounds = array<i64: 2, 16>, scalar_prefetch = 0 : i64, scratch_operands = 6 : i64, tpu.core_type = #tpu.core_type<sc_vector_subcore>, window_params = [{transform_indices = #map}, {transform_indices = #map}, {transform_indices = #map}, {transform_indices = #map}, {transform_indices = #map1}]} {
    %mul3A = arith.constant 640 : i32
    %mul3A_0 = arith.muli %arg1, %mul3A : i32
    "tpu.region"() ({
      %run_scoped3A = tpu.sem_alloc : memref<!tpu.dma_semaphore, #tpu.memory_space<semaphore_mem>>
      %dma_start3A = arith.constant 0 : i32
      %dma_start3A_43 = tpu.memref_slice %arg11[%mul3A_0, %dma_start3A] : memref<10240x128xf32, #tpu.memory_space<vmem_shared>> -> memref<640x128xf32, #tpu.memory_space<vmem_shared>>
      tpu.enqueue_dma source(%arg5 : memref<640x128xf32, #tpu.memory_space<hbm>>) target(%dma_start3A_43 : memref<640x128xf32, #tpu.memory_space<vmem_shared>>) target_semaphore(%run_scoped3A : memref<!tpu.dma_semaphore, #tpu.memory_space<semaphore_mem>>)
      %dma_wait3A = arith.constant 0 : i32
      %dma_wait3A_44 = tpu.memref_slice %arg11[%mul3A_0, %dma_wait3A] : memref<10240x128xf32, #tpu.memory_space<vmem_shared>> -> memref<640x128xf32, #tpu.memory_space<vmem_shared>>
      tpu.wait_dma2 semaphore(%run_scoped3A : memref<!tpu.dma_semaphore, #tpu.memory_space<semaphore_mem>>) src(%arg5 : memref<640x128xf32, #tpu.memory_space<hbm>>) dst(%dma_wait3A_44 : memref<640x128xf32, #tpu.memory_space<vmem_shared>>)
      tpu.yield
    }) : () -> ()
    %eq3A = arith.constant 0 : i32
    %eq3A_1 = arith.cmpi eq, %arg0, %eq3A : i32
    %select_n3A = arith.constant 32 : i32
    %select_n3A_2 = arith.constant 48 : i32
    %select_n3A_3 = arith.select %eq3A_1, %select_n3A_2, %select_n3A : i32
    %eq3A_4 = arith.constant 0 : i32
    %eq3A_5 = arith.cmpi eq, %arg0, %eq3A_4 : i32
    %convert_element_type3A = arith.extui %eq3A_5 : i1 to i32
    %cond3A = arith.constant 0 : i32
    %cond3A_6 = arith.cmpi ne, %convert_element_type3A, %cond3A : i32
    scf.if %cond3A_6 {
      %mul3A_43 = arith.constant 48 : i32
      %mul3A_44 = arith.muli %arg1, %mul3A_43 : i32
      "tpu.region"() ({
        %run_scoped3A = tpu.sem_alloc : memref<!tpu.dma_semaphore, #tpu.memory_space<semaphore_mem>>
        %dma_start3A = arith.constant 0 : i32
        %dma_start3A_47 = arith.constant 0 : i32
        %dma_start3A_48 = tpu.memref_slice %arg7[%dma_start3A, %dma_start3A_47] : memref<48x128xi32, #tpu.memory_space<vmem>> -> memref<48x128xi32, #tpu.memory_space<vmem>>
        %dma_start3A_49 = arith.constant 0 : i32
        %dma_start3A_50 = tpu.memref_slice %arg3[%mul3A_44, %dma_start3A_49] : memref<1280x128xi32, #tpu.memory_space<hbm>> -> memref<48x128xi32, #tpu.memory_space<hbm>>
        %dma_start3A_51 = arith.constant 0 : i32
        %dma_start3A_52 = arith.constant 0 : i32
        %dma_start3A_53 = tpu.memref_slice %arg7[%dma_start3A_51, %dma_start3A_52] : memref<48x128xi32, #tpu.memory_space<vmem>> -> memref<48x128xi32, #tpu.memory_space<vmem>>
        %dma_start3A_54 = arith.constant 0 : i32
        %dma_start3A_55 = tpu.memref_slice %arg3[%mul3A_44, %dma_start3A_54] : memref<1280x128xi32, #tpu.memory_space<hbm>> -> memref<48x128xi32, #tpu.memory_space<hbm>>
        tpu.enqueue_dma source(%dma_start3A_55 : memref<48x128xi32, #tpu.memory_space<hbm>>) target(%dma_start3A_53 : memref<48x128xi32, #tpu.memory_space<vmem>>) target_semaphore(%run_scoped3A : memref<!tpu.dma_semaphore, #tpu.memory_space<semaphore_mem>>)
        %dma_wait3A = arith.constant 0 : i32
        %dma_wait3A_56 = arith.constant 0 : i32
        %dma_wait3A_57 = tpu.memref_slice %arg7[%dma_wait3A, %dma_wait3A_56] : memref<48x128xi32, #tpu.memory_space<vmem>> -> memref<48x128xi32, #tpu.memory_space<vmem>>
        %dma_wait3A_58 = arith.constant 0 : i32
        %dma_wait3A_59 = tpu.memref_slice %arg3[%mul3A_44, %dma_wait3A_58] : memref<1280x128xi32, #tpu.memory_space<hbm>> -> memref<48x128xi32, #tpu.memory_space<hbm>>
        %dma_wait3A_60 = arith.constant 0 : i32
        %dma_wait3A_61 = arith.constant 0 : i32
        %dma_wait3A_62 = tpu.memref_slice %arg7[%dma_wait3A_60, %dma_wait3A_61] : memref<48x128xi32, #tpu.memory_space<vmem>> -> memref<48x128xi32, #tpu.memory_space<vmem>>
        %dma_wait3A_63 = arith.constant 0 : i32
        %dma_wait3A_64 = tpu.memref_slice %arg3[%mul3A_44, %dma_wait3A_63] : memref<1280x128xi32, #tpu.memory_space<hbm>> -> memref<48x128xi32, #tpu.memory_space<hbm>>
        tpu.wait_dma2 semaphore(%run_scoped3A : memref<!tpu.dma_semaphore, #tpu.memory_space<semaphore_mem>>) src(%dma_wait3A_64 : memref<48x128xi32, #tpu.memory_space<hbm>>) dst(%dma_wait3A_62 : memref<48x128xi32, #tpu.memory_space<vmem>>)
        tpu.yield
      }) : () -> ()
      %mul3A_45 = arith.constant 48 : i32
      %mul3A_46 = arith.muli %arg1, %mul3A_45 : i32
      "tpu.region"() ({
        %run_scoped3A = tpu.sem_alloc : memref<!tpu.dma_semaphore, #tpu.memory_space<semaphore_mem>>
        %dma_start3A = arith.constant 0 : i32
        %dma_start3A_47 = arith.constant 0 : i32
        %dma_start3A_48 = tpu.memref_slice %arg8[%dma_start3A, %dma_start3A_47] : memref<48x128xi32, #tpu.memory_space<vmem>> -> memref<48x128xi32, #tpu.memory_space<vmem>>
        %dma_start3A_49 = arith.constant 0 : i32
        %dma_start3A_50 = tpu.memref_slice %arg4[%mul3A_46, %dma_start3A_49] : memref<1280x128xi32, #tpu.memory_space<hbm>> -> memref<48x128xi32, #tpu.memory_space<hbm>>
        %dma_start3A_51 = arith.constant 0 : i32
        %dma_start3A_52 = arith.constant 0 : i32
        %dma_start3A_53 = tpu.memref_slice %arg8[%dma_start3A_51, %dma_start3A_52] : memref<48x128xi32, #tpu.memory_space<vmem>> -> memref<48x128xi32, #tpu.memory_space<vmem>>
        %dma_start3A_54 = arith.constant 0 : i32
        %dma_start3A_55 = tpu.memref_slice %arg4[%mul3A_46, %dma_start3A_54] : memref<1280x128xi32, #tpu.memory_space<hbm>> -> memref<48x128xi32, #tpu.memory_space<hbm>>
        tpu.enqueue_dma source(%dma_start3A_55 : memref<48x128xi32, #tpu.memory_space<hbm>>) target(%dma_start3A_53 : memref<48x128xi32, #tpu.memory_space<vmem>>) target_semaphore(%run_scoped3A : memref<!tpu.dma_semaphore, #tpu.memory_space<semaphore_mem>>)
        %dma_wait3A = arith.constant 0 : i32
        %dma_wait3A_56 = arith.constant 0 : i32
        %dma_wait3A_57 = tpu.memref_slice %arg8[%dma_wait3A, %dma_wait3A_56] : memref<48x128xi32, #tpu.memory_space<vmem>> -> memref<48x128xi32, #tpu.memory_space<vmem>>
        %dma_wait3A_58 = arith.constant 0 : i32
        %dma_wait3A_59 = tpu.memref_slice %arg4[%mul3A_46, %dma_wait3A_58] : memref<1280x128xi32, #tpu.memory_space<hbm>> -> memref<48x128xi32, #tpu.memory_space<hbm>>
        %dma_wait3A_60 = arith.constant 0 : i32
        %dma_wait3A_61 = arith.constant 0 : i32
        %dma_wait3A_62 = tpu.memref_slice %arg8[%dma_wait3A_60, %dma_wait3A_61] : memref<48x128xi32, #tpu.memory_space<vmem>> -> memref<48x128xi32, #tpu.memory_space<vmem>>
        %dma_wait3A_63 = arith.constant 0 : i32
        %dma_wait3A_64 = tpu.memref_slice %arg4[%mul3A_46, %dma_wait3A_63] : memref<1280x128xi32, #tpu.memory_space<hbm>> -> memref<48x128xi32, #tpu.memory_space<hbm>>
        tpu.wait_dma2 semaphore(%run_scoped3A : memref<!tpu.dma_semaphore, #tpu.memory_space<semaphore_mem>>) src(%dma_wait3A_64 : memref<48x128xi32, #tpu.memory_space<hbm>>) dst(%dma_wait3A_62 : memref<48x128xi32, #tpu.memory_space<vmem>>)
        tpu.yield
      }) : () -> ()
    } else {
    }
    %eq3A_7 = arith.constant 1 : i32
    %eq3A_8 = arith.cmpi eq, %arg0, %eq3A_7 : i32
    %convert_element_type3A_9 = arith.extui %eq3A_8 : i1 to i32
    %cond3A_10 = arith.constant 0 : i32
    %cond3A_11 = arith.cmpi ne, %convert_element_type3A_9, %cond3A_10 : i32
    scf.if %cond3A_11 {
      %mul3A_43 = arith.constant 32 : i32
      %mul3A_44 = arith.muli %arg1, %mul3A_43 : i32
      %add3A = arith.constant 768 : i32
      %add3A_45 = arith.addi %add3A, %mul3A_44 : i32
      "tpu.region"() ({
        %run_scoped3A = tpu.sem_alloc : memref<!tpu.dma_semaphore, #tpu.memory_space<semaphore_mem>>
        %dma_start3A = arith.constant 0 : i32
        %dma_start3A_50 = arith.constant 0 : i32
        %dma_start3A_51 = tpu.memref_slice %arg7[%dma_start3A, %dma_start3A_50] : memref<48x128xi32, #tpu.memory_space<vmem>> -> memref<32x128xi32, #tpu.memory_space<vmem>>
        %dma_start3A_52 = arith.constant 0 : i32
        %dma_start3A_53 = tpu.memref_slice %arg3[%add3A_45, %dma_start3A_52] : memref<1280x128xi32, #tpu.memory_space<hbm>> -> memref<32x128xi32, #tpu.memory_space<hbm>>
        %dma_start3A_54 = arith.constant 0 : i32
        %dma_start3A_55 = arith.constant 0 : i32
        %dma_start3A_56 = tpu.memref_slice %arg7[%dma_start3A_54, %dma_start3A_55] : memref<48x128xi32, #tpu.memory_space<vmem>> -> memref<32x128xi32, #tpu.memory_space<vmem>>
        %dma_start3A_57 = arith.constant 0 : i32
        %dma_start3A_58 = tpu.memref_slice %arg3[%add3A_45, %dma_start3A_57] : memref<1280x128xi32, #tpu.memory_space<hbm>> -> memref<32x128xi32, #tpu.memory_space<hbm>>
        tpu.enqueue_dma source(%dma_start3A_58 : memref<32x128xi32, #tpu.memory_space<hbm>>) target(%dma_start3A_56 : memref<32x128xi32, #tpu.memory_space<vmem>>) target_semaphore(%run_scoped3A : memref<!tpu.dma_semaphore, #tpu.memory_space<semaphore_mem>>)
        %dma_wait3A = arith.constant 0 : i32
        %dma_wait3A_59 = arith.constant 0 : i32
        %dma_wait3A_60 = tpu.memref_slice %arg7[%dma_wait3A, %dma_wait3A_59] : memref<48x128xi32, #tpu.memory_space<vmem>> -> memref<32x128xi32, #tpu.memory_space<vmem>>
        %dma_wait3A_61 = arith.constant 0 : i32
        %dma_wait3A_62 = tpu.memref_slice %arg3[%add3A_45, %dma_wait3A_61] : memref<1280x128xi32, #tpu.memory_space<hbm>> -> memref<32x128xi32, #tpu.memory_space<hbm>>
        %dma_wait3A_63 = arith.constant 0 : i32
        %dma_wait3A_64 = arith.constant 0 : i32
        %dma_wait3A_65 = tpu.memref_slice %arg7[%dma_wait3A_63, %dma_wait3A_64] : memref<48x128xi32, #tpu.memory_space<vmem>> -> memref<32x128xi32, #tpu.memory_space<vmem>>
        %dma_wait3A_66 = arith.constant 0 : i32
        %dma_wait3A_67 = tpu.memref_slice %arg3[%add3A_45, %dma_wait3A_66] : memref<1280x128xi32, #tpu.memory_space<hbm>> -> memref<32x128xi32, #tpu.memory_space<hbm>>
        tpu.wait_dma2 semaphore(%run_scoped3A : memref<!tpu.dma_semaphore, #tpu.memory_space<semaphore_mem>>) src(%dma_wait3A_67 : memref<32x128xi32, #tpu.memory_space<hbm>>) dst(%dma_wait3A_65 : memref<32x128xi32, #tpu.memory_space<vmem>>)
        tpu.yield
      }) : () -> ()
      %mul3A_46 = arith.constant 32 : i32
      %mul3A_47 = arith.muli %arg1, %mul3A_46 : i32
      %add3A_48 = arith.constant 768 : i32
      %add3A_49 = arith.addi %add3A_48, %mul3A_47 : i32
      "tpu.region"() ({
        %run_scoped3A = tpu.sem_alloc : memref<!tpu.dma_semaphore, #tpu.memory_space<semaphore_mem>>
        %dma_start3A = arith.constant 0 : i32
        %dma_start3A_50 = arith.constant 0 : i32
        %dma_start3A_51 = tpu.memref_slice %arg8[%dma_start3A, %dma_start3A_50] : memref<48x128xi32, #tpu.memory_space<vmem>> -> memref<32x128xi32, #tpu.memory_space<vmem>>
        %dma_start3A_52 = arith.constant 0 : i32
        %dma_start3A_53 = tpu.memref_slice %arg4[%add3A_49, %dma_start3A_52] : memref<1280x128xi32, #tpu.memory_space<hbm>> -> memref<32x128xi32, #tpu.memory_space<hbm>>
        %dma_start3A_54 = arith.constant 0 : i32
        %dma_start3A_55 = arith.constant 0 : i32
        %dma_start3A_56 = tpu.memref_slice %arg8[%dma_start3A_54, %dma_start3A_55] : memref<48x128xi32, #tpu.memory_space<vmem>> -> memref<32x128xi32, #tpu.memory_space<vmem>>
        %dma_start3A_57 = arith.constant 0 : i32
        %dma_start3A_58 = tpu.memref_slice %arg4[%add3A_49, %dma_start3A_57] : memref<1280x128xi32, #tpu.memory_space<hbm>> -> memref<32x128xi32, #tpu.memory_space<hbm>>
        tpu.enqueue_dma source(%dma_start3A_58 : memref<32x128xi32, #tpu.memory_space<hbm>>) target(%dma_start3A_56 : memref<32x128xi32, #tpu.memory_space<vmem>>) target_semaphore(%run_scoped3A : memref<!tpu.dma_semaphore, #tpu.memory_space<semaphore_mem>>)
        %dma_wait3A = arith.constant 0 : i32
        %dma_wait3A_59 = arith.constant 0 : i32
        %dma_wait3A_60 = tpu.memref_slice %arg8[%dma_wait3A, %dma_wait3A_59] : memref<48x128xi32, #tpu.memory_space<vmem>> -> memref<32x128xi32, #tpu.memory_space<vmem>>
        %dma_wait3A_61 = arith.constant 0 : i32
        %dma_wait3A_62 = tpu.memref_slice %arg4[%add3A_49, %dma_wait3A_61] : memref<1280x128xi32, #tpu.memory_space<hbm>> -> memref<32x128xi32, #tpu.memory_space<hbm>>
        %dma_wait3A_63 = arith.constant 0 : i32
        %dma_wait3A_64 = arith.constant 0 : i32
        %dma_wait3A_65 = tpu.memref_slice %arg8[%dma_wait3A_63, %dma_wait3A_64] : memref<48x128xi32, #tpu.memory_space<vmem>> -> memref<32x128xi32, #tpu.memory_space<vmem>>
        %dma_wait3A_66 = arith.constant 0 : i32
        %dma_wait3A_67 = tpu.memref_slice %arg4[%add3A_49, %dma_wait3A_66] : memref<1280x128xi32, #tpu.memory_space<hbm>> -> memref<32x128xi32, #tpu.memory_space<hbm>>
        tpu.wait_dma2 semaphore(%run_scoped3A : memref<!tpu.dma_semaphore, #tpu.memory_space<semaphore_mem>>) src(%dma_wait3A_67 : memref<32x128xi32, #tpu.memory_space<hbm>>) dst(%dma_wait3A_65 : memref<32x128xi32, #tpu.memory_space<vmem>>)
        tpu.yield
      }) : () -> ()
    } else {
    }
    %barrier3A = arith.constant 0 : index
    tpu.barrier barrier_id(%barrier3A)
    %jit3A = arith.constant 2 : i32
    %div3A = arith.divsi %select_n3A_3, %jit3A : i32
    %sign3A = arith.constant 0 : i32
    %sign3A_12 = arith.cmpi sgt, %select_n3A_3, %sign3A : i32
    %sign3A_13 = arith.extui %sign3A_12 : i1 to i32
    %sign3A_14 = arith.constant 0 : i32
    %sign3A_15 = arith.cmpi slt, %select_n3A_3, %sign3A_14 : i32
    %sign3A_16 = arith.extui %sign3A_15 : i1 to i32
    %sign3A_17 = arith.subi %sign3A_13, %sign3A_16 : i32
    %sign3A_18 = arith.constant 0 : i32
    %sign3A_19 = arith.cmpi sgt, %jit3A, %sign3A_18 : i32
    %sign3A_20 = arith.extui %sign3A_19 : i1 to i32
    %sign3A_21 = arith.constant 0 : i32
    %sign3A_22 = arith.cmpi slt, %jit3A, %sign3A_21 : i32
    %sign3A_23 = arith.extui %sign3A_22 : i1 to i32
    %sign3A_24 = arith.subi %sign3A_20, %sign3A_23 : i32
    %ne3A = arith.cmpi ne, %sign3A_17, %sign3A_24 : i32
    %rem3A = arith.remsi %select_n3A_3, %jit3A : i32
    %ne3A_25 = arith.constant 0 : i32
    %ne3A_26 = arith.cmpi ne, %rem3A, %ne3A_25 : i32
    %and3A = arith.andi %ne3A, %ne3A_26 : i1
    %sub3A = arith.constant 1 : i32
    %sub3A_27 = arith.subi %div3A, %sub3A : i32
    %select_n3A_28 = arith.select %and3A, %sub3A_27, %div3A : i32
    %while3A = arith.constant 0 : i32
    %while3A_29 = arith.constant 0 : i32
    %while3A_30 = arith.subi %select_n3A_28, %while3A_29 : i32
    %while3A_31 = arith.addi %while3A_29, %while3A_30 : i32
    %while3A_32 = arith.constant 1 : i32
    %while3A_33 = arith.divsi %while3A_30, %while3A_32 : i32
    %while3A_34 = arith.muli %while3A_33, %while3A_32 : i32
    %while3A_35 = arith.addi %while3A_29, %while3A_34 : i32
    %while3A_36 = arith.constant 1 : i32
    scf.for %while3A_43 = %while3A_29 to %while3A_35 step %while3A_36  : i32 {
      %mul3A_44 = arith.constant 2 : i32
      %mul3A_45 = arith.muli %while3A_43, %mul3A_44 : i32
      %dma_start3A = arith.constant 0 : i32
      %dma_start3A_46 = tpu.memref_slice %arg7[%mul3A_45, %dma_start3A] : memref<48x128xi32, #tpu.memory_space<vmem>> -> memref<1x128xi32, #tpu.memory_space<vmem>>
      %dma_start3A_47 = tpu.memref_squeeze %dma_start3A_46 : memref<1x128xi32, #tpu.memory_space<vmem>> -> memref<128xi32, #tpu.memory_space<vmem>>
      %dma_start3A_48 = arith.constant 0 : i32
      %dma_start3A_49 = arith.constant 0 : i32
      %dma_start3A_50 = tpu.memref_slice %arg2[%dma_start3A_48, %dma_start3A_49] : memref<10000x128xf32, #tpu.memory_space<hbm>> -> memref<10000x128xf32, #tpu.memory_space<hbm>>
      tpu.enqueue_indirect_dma source(%dma_start3A_50 : memref<10000x128xf32, #tpu.memory_space<hbm>>) target(%arg9 : memref<128x128xf32, #tpu.memory_space<vmem>>) offsets(%dma_start3A_47 : memref<128xi32, #tpu.memory_space<vmem>>) semaphore(%arg12 : memref<!tpu.dma_semaphore, #tpu.memory_space<semaphore_mem>>)
      %add3A = arith.constant 1 : i32
      %add3A_51 = arith.addi %mul3A_45, %add3A : i32
      %dma_start3A_52 = arith.constant 0 : i32
      %dma_start3A_53 = tpu.memref_slice %arg7[%add3A_51, %dma_start3A_52] : memref<48x128xi32, #tpu.memory_space<vmem>> -> memref<1x128xi32, #tpu.memory_space<vmem>>
      %dma_start3A_54 = tpu.memref_squeeze %dma_start3A_53 : memref<1x128xi32, #tpu.memory_space<vmem>> -> memref<128xi32, #tpu.memory_space<vmem>>
      %dma_start3A_55 = arith.constant 0 : i32
      %dma_start3A_56 = arith.constant 0 : i32
      %dma_start3A_57 = tpu.memref_slice %arg2[%dma_start3A_55, %dma_start3A_56] : memref<10000x128xf32, #tpu.memory_space<hbm>> -> memref<10000x128xf32, #tpu.memory_space<hbm>>
      tpu.enqueue_indirect_dma source(%dma_start3A_57 : memref<10000x128xf32, #tpu.memory_space<hbm>>) target(%arg10 : memref<128x128xf32, #tpu.memory_space<vmem>>) offsets(%dma_start3A_54 : memref<128xi32, #tpu.memory_space<vmem>>) semaphore(%arg12 : memref<!tpu.dma_semaphore, #tpu.memory_space<semaphore_mem>>)
      %dma_wait3A = arith.constant 0 : i32
      %dma_wait3A_58 = tpu.memref_slice %arg7[%mul3A_45, %dma_wait3A] : memref<48x128xi32, #tpu.memory_space<vmem>> -> memref<1x128xi32, #tpu.memory_space<vmem>>
      %dma_wait3A_59 = tpu.memref_squeeze %dma_wait3A_58 : memref<1x128xi32, #tpu.memory_space<vmem>> -> memref<128xi32, #tpu.memory_space<vmem>>
      %dma_wait3A_60 = arith.constant 0 : i32
      %dma_wait3A_61 = arith.constant 0 : i32
      %dma_wait3A_62 = tpu.memref_slice %arg2[%dma_wait3A_60, %dma_wait3A_61] : memref<10000x128xf32, #tpu.memory_space<hbm>> -> memref<10000x128xf32, #tpu.memory_space<hbm>>
      tpu.wait_indirect_dma semaphore(%arg12 : memref<!tpu.dma_semaphore, #tpu.memory_space<semaphore_mem>>) src(%dma_wait3A_62 : memref<10000x128xf32, #tpu.memory_space<hbm>>) dst(%arg9 : memref<128x128xf32, #tpu.memory_space<vmem>>)
      "tpu.region"() ({
        %run_scoped3A = tpu.sem_alloc : memref<!tpu.dma_semaphore, #tpu.memory_space<semaphore_mem>>
        %dma_start3A_73 = arith.constant 0 : i32
        %dma_start3A_74 = tpu.memref_slice %arg8[%mul3A_45, %dma_start3A_73] : memref<48x128xi32, #tpu.memory_space<vmem>> -> memref<1x128xi32, #tpu.memory_space<vmem>>
        %dma_start3A_75 = tpu.memref_squeeze %dma_start3A_74 : memref<1x128xi32, #tpu.memory_space<vmem>> -> memref<128xi32, #tpu.memory_space<vmem>>
        %dma_start3A_76 = arith.constant 0 : i32
        %dma_start3A_77 = arith.constant 0 : i32
        %dma_start3A_78 = tpu.memref_slice %arg11[%dma_start3A_76, %dma_start3A_77] : memref<10240x128xf32, #tpu.memory_space<vmem_shared>> -> memref<10240x128xf32, #tpu.memory_space<vmem_shared>>
        tpu.enqueue_indirect_dma source(%arg9 : memref<128x128xf32, #tpu.memory_space<vmem>>) target(%dma_start3A_78 : memref<10240x128xf32, #tpu.memory_space<vmem_shared>>) offsets(%dma_start3A_75 : memref<128xi32, #tpu.memory_space<vmem>>) semaphore(%run_scoped3A : memref<!tpu.dma_semaphore, #tpu.memory_space<semaphore_mem>>) {add = true}
        %dma_wait3A_79 = arith.constant 0 : i32
        %dma_wait3A_80 = tpu.memref_slice %arg8[%mul3A_45, %dma_wait3A_79] : memref<48x128xi32, #tpu.memory_space<vmem>> -> memref<1x128xi32, #tpu.memory_space<vmem>>
        %dma_wait3A_81 = tpu.memref_squeeze %dma_wait3A_80 : memref<1x128xi32, #tpu.memory_space<vmem>> -> memref<128xi32, #tpu.memory_space<vmem>>
        %dma_wait3A_82 = arith.constant 0 : i32
        %dma_wait3A_83 = arith.constant 0 : i32
        %dma_wait3A_84 = tpu.memref_slice %arg11[%dma_wait3A_82, %dma_wait3A_83] : memref<10240x128xf32, #tpu.memory_space<vmem_shared>> -> memref<10240x128xf32, #tpu.memory_space<vmem_shared>>
        tpu.wait_indirect_dma semaphore(%run_scoped3A : memref<!tpu.dma_semaphore, #tpu.memory_space<semaphore_mem>>) src(%arg9 : memref<128x128xf32, #tpu.memory_space<vmem>>) dst(%dma_wait3A_84 : memref<10240x128xf32, #tpu.memory_space<vmem_shared>>)
        tpu.yield
      }) : () -> ()
      %add3A_63 = arith.constant 1 : i32
      %add3A_64 = arith.addi %mul3A_45, %add3A_63 : i32
      %dma_wait3A_65 = arith.constant 0 : i32
      %dma_wait3A_66 = tpu.memref_slice %arg7[%add3A_64, %dma_wait3A_65] : memref<48x128xi32, #tpu.memory_space<vmem>> -> memref<1x128xi32, #tpu.memory_space<vmem>>
      %dma_wait3A_67 = tpu.memref_squeeze %dma_wait3A_66 : memref<1x128xi32, #tpu.memory_space<vmem>> -> memref<128xi32, #tpu.memory_space<vmem>>
      %dma_wait3A_68 = arith.constant 0 : i32
      %dma_wait3A_69 = arith.constant 0 : i32
      %dma_wait3A_70 = tpu.memref_slice %arg2[%dma_wait3A_68, %dma_wait3A_69] : memref<10000x128xf32, #tpu.memory_space<hbm>> -> memref<10000x128xf32, #tpu.memory_space<hbm>>
      tpu.wait_indirect_dma semaphore(%arg12 : memref<!tpu.dma_semaphore, #tpu.memory_space<semaphore_mem>>) src(%dma_wait3A_70 : memref<10000x128xf32, #tpu.memory_space<hbm>>) dst(%arg10 : memref<128x128xf32, #tpu.memory_space<vmem>>)
      %add3A_71 = arith.constant 1 : i32
      %add3A_72 = arith.addi %mul3A_45, %add3A_71 : i32
      "tpu.region"() ({
        %run_scoped3A = tpu.sem_alloc : memref<!tpu.dma_semaphore, #tpu.memory_space<semaphore_mem>>
        %dma_start3A_73 = arith.constant 0 : i32
        %dma_start3A_74 = tpu.memref_slice %arg8[%add3A_72, %dma_start3A_73] : memref<48x128xi32, #tpu.memory_space<vmem>> -> memref<1x128xi32, #tpu.memory_space<vmem>>
        %dma_start3A_75 = tpu.memref_squeeze %dma_start3A_74 : memref<1x128xi32, #tpu.memory_space<vmem>> -> memref<128xi32, #tpu.memory_space<vmem>>
        %dma_start3A_76 = arith.constant 0 : i32
        %dma_start3A_77 = arith.constant 0 : i32
        %dma_start3A_78 = tpu.memref_slice %arg11[%dma_start3A_76, %dma_start3A_77] : memref<10240x128xf32, #tpu.memory_space<vmem_shared>> -> memref<10240x128xf32, #tpu.memory_space<vmem_shared>>
        tpu.enqueue_indirect_dma source(%arg10 : memref<128x128xf32, #tpu.memory_space<vmem>>) target(%dma_start3A_78 : memref<10240x128xf32, #tpu.memory_space<vmem_shared>>) offsets(%dma_start3A_75 : memref<128xi32, #tpu.memory_space<vmem>>) semaphore(%run_scoped3A : memref<!tpu.dma_semaphore, #tpu.memory_space<semaphore_mem>>) {add = true}
        %dma_wait3A_79 = arith.constant 0 : i32
        %dma_wait3A_80 = tpu.memref_slice %arg8[%add3A_72, %dma_wait3A_79] : memref<48x128xi32, #tpu.memory_space<vmem>> -> memref<1x128xi32, #tpu.memory_space<vmem>>
        %dma_wait3A_81 = tpu.memref_squeeze %dma_wait3A_80 : memref<1x128xi32, #tpu.memory_space<vmem>> -> memref<128xi32, #tpu.memory_space<vmem>>
        %dma_wait3A_82 = arith.constant 0 : i32
        %dma_wait3A_83 = arith.constant 0 : i32
        %dma_wait3A_84 = tpu.memref_slice %arg11[%dma_wait3A_82, %dma_wait3A_83] : memref<10240x128xf32, #tpu.memory_space<vmem_shared>> -> memref<10240x128xf32, #tpu.memory_space<vmem_shared>>
        tpu.wait_indirect_dma semaphore(%run_scoped3A : memref<!tpu.dma_semaphore, #tpu.memory_space<semaphore_mem>>) src(%arg10 : memref<128x128xf32, #tpu.memory_space<vmem>>) dst(%dma_wait3A_84 : memref<10240x128xf32, #tpu.memory_space<vmem_shared>>)
        tpu.yield
      }) : () -> ()
    }
    %while3A_37 = arith.constant 1 : i32
    scf.for %while3A_43 = %while3A_35 to %while3A_31 step %while3A_37  : i32 {
      %mul3A_44 = arith.constant 2 : i32
      %mul3A_45 = arith.muli %while3A_43, %mul3A_44 : i32
      %dma_start3A = arith.constant 0 : i32
      %dma_start3A_46 = tpu.memref_slice %arg7[%mul3A_45, %dma_start3A] : memref<48x128xi32, #tpu.memory_space<vmem>> -> memref<1x128xi32, #tpu.memory_space<vmem>>
      %dma_start3A_47 = tpu.memref_squeeze %dma_start3A_46 : memref<1x128xi32, #tpu.memory_space<vmem>> -> memref<128xi32, #tpu.memory_space<vmem>>
      %dma_start3A_48 = arith.constant 0 : i32
      %dma_start3A_49 = arith.constant 0 : i32
      %dma_start3A_50 = tpu.memref_slice %arg2[%dma_start3A_48, %dma_start3A_49] : memref<10000x128xf32, #tpu.memory_space<hbm>> -> memref<10000x128xf32, #tpu.memory_space<hbm>>
      tpu.enqueue_indirect_dma source(%dma_start3A_50 : memref<10000x128xf32, #tpu.memory_space<hbm>>) target(%arg9 : memref<128x128xf32, #tpu.memory_space<vmem>>) offsets(%dma_start3A_47 : memref<128xi32, #tpu.memory_space<vmem>>) semaphore(%arg12 : memref<!tpu.dma_semaphore, #tpu.memory_space<semaphore_mem>>)
      %add3A = arith.constant 1 : i32
      %add3A_51 = arith.addi %mul3A_45, %add3A : i32
      %dma_start3A_52 = arith.constant 0 : i32
      %dma_start3A_53 = tpu.memref_slice %arg7[%add3A_51, %dma_start3A_52] : memref<48x128xi32, #tpu.memory_space<vmem>> -> memref<1x128xi32, #tpu.memory_space<vmem>>
      %dma_start3A_54 = tpu.memref_squeeze %dma_start3A_53 : memref<1x128xi32, #tpu.memory_space<vmem>> -> memref<128xi32, #tpu.memory_space<vmem>>
      %dma_start3A_55 = arith.constant 0 : i32
      %dma_start3A_56 = arith.constant 0 : i32
      %dma_start3A_57 = tpu.memref_slice %arg2[%dma_start3A_55, %dma_start3A_56] : memref<10000x128xf32, #tpu.memory_space<hbm>> -> memref<10000x128xf32, #tpu.memory_space<hbm>>
      tpu.enqueue_indirect_dma source(%dma_start3A_57 : memref<10000x128xf32, #tpu.memory_space<hbm>>) target(%arg10 : memref<128x128xf32, #tpu.memory_space<vmem>>) offsets(%dma_start3A_54 : memref<128xi32, #tpu.memory_space<vmem>>) semaphore(%arg12 : memref<!tpu.dma_semaphore, #tpu.memory_space<semaphore_mem>>)
      %dma_wait3A = arith.constant 0 : i32
      %dma_wait3A_58 = tpu.memref_slice %arg7[%mul3A_45, %dma_wait3A] : memref<48x128xi32, #tpu.memory_space<vmem>> -> memref<1x128xi32, #tpu.memory_space<vmem>>
      %dma_wait3A_59 = tpu.memref_squeeze %dma_wait3A_58 : memref<1x128xi32, #tpu.memory_space<vmem>> -> memref<128xi32, #tpu.memory_space<vmem>>
      %dma_wait3A_60 = arith.constant 0 : i32
      %dma_wait3A_61 = arith.constant 0 : i32
      %dma_wait3A_62 = tpu.memref_slice %arg2[%dma_wait3A_60, %dma_wait3A_61] : memref<10000x128xf32, #tpu.memory_space<hbm>> -> memref<10000x128xf32, #tpu.memory_space<hbm>>
      tpu.wait_indirect_dma semaphore(%arg12 : memref<!tpu.dma_semaphore, #tpu.memory_space<semaphore_mem>>) src(%dma_wait3A_62 : memref<10000x128xf32, #tpu.memory_space<hbm>>) dst(%arg9 : memref<128x128xf32, #tpu.memory_space<vmem>>)
      "tpu.region"() ({
        %run_scoped3A = tpu.sem_alloc : memref<!tpu.dma_semaphore, #tpu.memory_space<semaphore_mem>>
        %dma_start3A_73 = arith.constant 0 : i32
        %dma_start3A_74 = tpu.memref_slice %arg8[%mul3A_45, %dma_start3A_73] : memref<48x128xi32, #tpu.memory_space<vmem>> -> memref<1x128xi32, #tpu.memory_space<vmem>>
        %dma_start3A_75 = tpu.memref_squeeze %dma_start3A_74 : memref<1x128xi32, #tpu.memory_space<vmem>> -> memref<128xi32, #tpu.memory_space<vmem>>
        %dma_start3A_76 = arith.constant 0 : i32
        %dma_start3A_77 = arith.constant 0 : i32
        %dma_start3A_78 = tpu.memref_slice %arg11[%dma_start3A_76, %dma_start3A_77] : memref<10240x128xf32, #tpu.memory_space<vmem_shared>> -> memref<10240x128xf32, #tpu.memory_space<vmem_shared>>
        tpu.enqueue_indirect_dma source(%arg9 : memref<128x128xf32, #tpu.memory_space<vmem>>) target(%dma_start3A_78 : memref<10240x128xf32, #tpu.memory_space<vmem_shared>>) offsets(%dma_start3A_75 : memref<128xi32, #tpu.memory_space<vmem>>) semaphore(%run_scoped3A : memref<!tpu.dma_semaphore, #tpu.memory_space<semaphore_mem>>) {add = true}
        %dma_wait3A_79 = arith.constant 0 : i32
        %dma_wait3A_80 = tpu.memref_slice %arg8[%mul3A_45, %dma_wait3A_79] : memref<48x128xi32, #tpu.memory_space<vmem>> -> memref<1x128xi32, #tpu.memory_space<vmem>>
        %dma_wait3A_81 = tpu.memref_squeeze %dma_wait3A_80 : memref<1x128xi32, #tpu.memory_space<vmem>> -> memref<128xi32, #tpu.memory_space<vmem>>
        %dma_wait3A_82 = arith.constant 0 : i32
        %dma_wait3A_83 = arith.constant 0 : i32
        %dma_wait3A_84 = tpu.memref_slice %arg11[%dma_wait3A_82, %dma_wait3A_83] : memref<10240x128xf32, #tpu.memory_space<vmem_shared>> -> memref<10240x128xf32, #tpu.memory_space<vmem_shared>>
        tpu.wait_indirect_dma semaphore(%run_scoped3A : memref<!tpu.dma_semaphore, #tpu.memory_space<semaphore_mem>>) src(%arg9 : memref<128x128xf32, #tpu.memory_space<vmem>>) dst(%dma_wait3A_84 : memref<10240x128xf32, #tpu.memory_space<vmem_shared>>)
        tpu.yield
      }) : () -> ()
      %add3A_63 = arith.constant 1 : i32
      %add3A_64 = arith.addi %mul3A_45, %add3A_63 : i32
      %dma_wait3A_65 = arith.constant 0 : i32
      %dma_wait3A_66 = tpu.memref_slice %arg7[%add3A_64, %dma_wait3A_65] : memref<48x128xi32, #tpu.memory_space<vmem>> -> memref<1x128xi32, #tpu.memory_space<vmem>>
      %dma_wait3A_67 = tpu.memref_squeeze %dma_wait3A_66 : memref<1x128xi32, #tpu.memory_space<vmem>> -> memref<128xi32, #tpu.memory_space<vmem>>
      %dma_wait3A_68 = arith.constant 0 : i32
      %dma_wait3A_69 = arith.constant 0 : i32
      %dma_wait3A_70 = tpu.memref_slice %arg2[%dma_wait3A_68, %dma_wait3A_69] : memref<10000x128xf32, #tpu.memory_space<hbm>> -> memref<10000x128xf32, #tpu.memory_space<hbm>>
      tpu.wait_indirect_dma semaphore(%arg12 : memref<!tpu.dma_semaphore, #tpu.memory_space<semaphore_mem>>) src(%dma_wait3A_70 : memref<10000x128xf32, #tpu.memory_space<hbm>>) dst(%arg10 : memref<128x128xf32, #tpu.memory_space<vmem>>)
      %add3A_71 = arith.constant 1 : i32
      %add3A_72 = arith.addi %mul3A_45, %add3A_71 : i32
      "tpu.region"() ({
        %run_scoped3A = tpu.sem_alloc : memref<!tpu.dma_semaphore, #tpu.memory_space<semaphore_mem>>
        %dma_start3A_73 = arith.constant 0 : i32
        %dma_start3A_74 = tpu.memref_slice %arg8[%add3A_72, %dma_start3A_73] : memref<48x128xi32, #tpu.memory_space<vmem>> -> memref<1x128xi32, #tpu.memory_space<vmem>>
        %dma_start3A_75 = tpu.memref_squeeze %dma_start3A_74 : memref<1x128xi32, #tpu.memory_space<vmem>> -> memref<128xi32, #tpu.memory_space<vmem>>
        %dma_start3A_76 = arith.constant 0 : i32
        %dma_start3A_77 = arith.constant 0 : i32
        %dma_start3A_78 = tpu.memref_slice %arg11[%dma_start3A_76, %dma_start3A_77] : memref<10240x128xf32, #tpu.memory_space<vmem_shared>> -> memref<10240x128xf32, #tpu.memory_space<vmem_shared>>
        tpu.enqueue_indirect_dma source(%arg10 : memref<128x128xf32, #tpu.memory_space<vmem>>) target(%dma_start3A_78 : memref<10240x128xf32, #tpu.memory_space<vmem_shared>>) offsets(%dma_start3A_75 : memref<128xi32, #tpu.memory_space<vmem>>) semaphore(%run_scoped3A : memref<!tpu.dma_semaphore, #tpu.memory_space<semaphore_mem>>) {add = true}
        %dma_wait3A_79 = arith.constant 0 : i32
        %dma_wait3A_80 = tpu.memref_slice %arg8[%add3A_72, %dma_wait3A_79] : memref<48x128xi32, #tpu.memory_space<vmem>> -> memref<1x128xi32, #tpu.memory_space<vmem>>
        %dma_wait3A_81 = tpu.memref_squeeze %dma_wait3A_80 : memref<1x128xi32, #tpu.memory_space<vmem>> -> memref<128xi32, #tpu.memory_space<vmem>>
        %dma_wait3A_82 = arith.constant 0 : i32
        %dma_wait3A_83 = arith.constant 0 : i32
        %dma_wait3A_84 = tpu.memref_slice %arg11[%dma_wait3A_82, %dma_wait3A_83] : memref<10240x128xf32, #tpu.memory_space<vmem_shared>> -> memref<10240x128xf32, #tpu.memory_space<vmem_shared>>
        tpu.wait_indirect_dma semaphore(%run_scoped3A : memref<!tpu.dma_semaphore, #tpu.memory_space<semaphore_mem>>) src(%arg10 : memref<128x128xf32, #tpu.memory_space<vmem>>) dst(%dma_wait3A_84 : memref<10240x128xf32, #tpu.memory_space<vmem_shared>>)
        tpu.yield
      }) : () -> ()
    }
    %barrier3A_38 = arith.constant 0 : index
    tpu.barrier barrier_id(%barrier3A_38)
    %mul3A_39 = arith.constant 640 : i32
    %mul3A_40 = arith.muli %arg1, %mul3A_39 : i32
    %mul3A_41 = arith.constant 640 : i32
    %mul3A_42 = arith.muli %arg1, %mul3A_41 : i32
    "tpu.region"() ({
      %run_scoped3A = tpu.sem_alloc : memref<!tpu.dma_semaphore, #tpu.memory_space<semaphore_mem>>
      %dma_start3A = arith.constant 0 : i32
      %dma_start3A_43 = arith.constant 0 : i32
      %dma_start3A_44 = tpu.memref_slice %arg6[%arg0, %dma_start3A, %dma_start3A_43] : memref<2x10240x128xf32, #tpu.memory_space<hbm>> -> memref<1x10240x128xf32, #tpu.memory_space<hbm>>
      %dma_start3A_45 = tpu.memref_squeeze %dma_start3A_44 : memref<1x10240x128xf32, #tpu.memory_space<hbm>> -> memref<10240x128xf32, #tpu.memory_space<hbm>>
      %dma_start3A_46 = arith.constant 0 : i32
      %dma_start3A_47 = tpu.memref_slice %dma_start3A_45[%mul3A_42, %dma_start3A_46] : memref<10240x128xf32, #tpu.memory_space<hbm>> -> memref<640x128xf32, #tpu.memory_space<hbm>>
      %dma_start3A_48 = arith.constant 0 : i32
      %dma_start3A_49 = tpu.memref_slice %arg11[%mul3A_40, %dma_start3A_48] : memref<10240x128xf32, #tpu.memory_space<vmem_shared>> -> memref<640x128xf32, #tpu.memory_space<vmem_shared>>
      tpu.enqueue_dma source(%dma_start3A_49 : memref<640x128xf32, #tpu.memory_space<vmem_shared>>) target(%dma_start3A_47 : memref<640x128xf32, #tpu.memory_space<hbm>>) target_semaphore(%run_scoped3A : memref<!tpu.dma_semaphore, #tpu.memory_space<semaphore_mem>>)
      %dma_wait3A = arith.constant 0 : i32
      %dma_wait3A_50 = arith.constant 0 : i32
      %dma_wait3A_51 = tpu.memref_slice %arg6[%arg0, %dma_wait3A, %dma_wait3A_50] : memref<2x10240x128xf32, #tpu.memory_space<hbm>> -> memref<1x10240x128xf32, #tpu.memory_space<hbm>>
      %dma_wait3A_52 = tpu.memref_squeeze %dma_wait3A_51 : memref<1x10240x128xf32, #tpu.memory_space<hbm>> -> memref<10240x128xf32, #tpu.memory_space<hbm>>
      %dma_wait3A_53 = arith.constant 0 : i32
      %dma_wait3A_54 = tpu.memref_slice %dma_wait3A_52[%mul3A_42, %dma_wait3A_53] : memref<10240x128xf32, #tpu.memory_space<hbm>> -> memref<640x128xf32, #tpu.memory_space<hbm>>
      %dma_wait3A_55 = arith.constant 0 : i32
      %dma_wait3A_56 = tpu.memref_slice %arg11[%mul3A_40, %dma_wait3A_55] : memref<10240x128xf32, #tpu.memory_space<vmem_shared>> -> memref<640x128xf32, #tpu.memory_space<vmem_shared>>
      tpu.wait_dma2 semaphore(%run_scoped3A : memref<!tpu.dma_semaphore, #tpu.memory_space<semaphore_mem>>) src(%dma_wait3A_56 : memref<640x128xf32, #tpu.memory_space<vmem_shared>>) dst(%dma_wait3A_54 : memref<640x128xf32, #tpu.memory_space<hbm>>)
      tpu.yield
    }) : () -> ()
    return
  }
}

module attributes {stable_mosaic.version = 14 : i64} {
  func.func @body(%arg0: i32, %arg1: memref<1000x256xf32, #tpu.memory_space<vmem>>, %arg2: memref<256x128xf32, #tpu.memory_space<vmem>>, %arg3: memref<1000x32xf32, #tpu.memory_space<vmem>>, %arg4: memref<1000x128xf32, #tpu.memory_space<vmem>>, %arg5: memref<1000x128xf32, #tpu.memory_space<vmem>>) attributes {dimension_semantics = [#tpu.dimension_semantics<arbitrary>], iteration_bounds = array<i64: 10>, scalar_prefetch = 0 : i64, scratch_operands = 0 : i64, tpu.core_type = #tpu.core_type<tc>, window_params = [{transform_indices = @transform_0, window_bounds = array<i64: 1000, 256>}, {pipeline_mode = #tpu.pipeline_mode<synchronous>, transform_indices = @transform_1, window_bounds = array<i64: 256, 128>}, {transform_indices = @transform_2, window_bounds = array<i64: 1000, 32>}, {transform_indices = @transform_3, window_bounds = array<i64: 1000, 128>}, {transform_indices = @transform_4, window_bounds = array<i64: 1000, 128>}]} {
    %get3A = arith.constant 0 : index
    %get3A_0 = arith.constant 0 : index
    %get3A_1 = vector.load %arg3[%get3A, %get3A_0] : memref<1000x32xf32, #tpu.memory_space<vmem>>, vector<1000x32xf32>
    %reduce_sum3A = arith.constant dense<0.000000e+00> : vector<1000xf32>
    %reduce_sum3A_2 = vector.multi_reduction <add>, %get3A_1, %reduce_sum3A [1] : vector<1000x32xf32> to vector<1000xf32>
    %broadcast_in_dim3A = vector.shape_cast %reduce_sum3A_2 : vector<1000xf32> to vector<1000x1xf32>
    %add3A = arith.constant 1.000000e+00 : f32
    %add3A_3 = vector.broadcast %add3A : f32 to vector<1000x1xf32>
    %add3A_4 = arith.addf %broadcast_in_dim3A, %add3A_3 : vector<1000x1xf32>
    %rsqrt3A = math.rsqrt %add3A_4 : vector<1000x1xf32>
    %broadcast_in_dim3A_5 = vector.shape_cast %rsqrt3A : vector<1000x1xf32> to vector<1000x1xf32>
    %broadcast_in_dim3A_6 = vector.broadcast %broadcast_in_dim3A_5 : vector<1000x1xf32> to vector<1000x128xf32>
    %get3A_7 = arith.constant 0 : index
    %get3A_8 = arith.constant 0 : index
    %get3A_9 = vector.load %arg1[%get3A_7, %get3A_8] : memref<1000x256xf32, #tpu.memory_space<vmem>>, vector<1000x256xf32>
    %get3A_10 = arith.constant 0 : index
    %get3A_11 = arith.constant 0 : index
    %get3A_12 = vector.load %arg2[%get3A_10, %get3A_11] : memref<256x128xf32, #tpu.memory_space<vmem>>, vector<256x128xf32>
    %dot_general3A = arith.constant dense<0.000000e+00> : vector<1000x128xf32>
    %dot_general3A_13 = tpu.matmul %get3A_9, %get3A_12, %dot_general3A {dimension_numbers = #tpu.dot_dimension_numbers<[1], [0], [0], [1], [0, 0, 1, 1], [], []>, transpose_lhs_hint = false} : vector<1000x256xf32>, vector<256x128xf32>, vector<1000x128xf32> -> vector<1000x128xf32>
    %mul3A = arith.mulf %dot_general3A_13, %broadcast_in_dim3A_6 : vector<1000x128xf32>
    %swap3A = arith.constant 0 : index
    %swap3A_14 = arith.constant 0 : index
    %swap3A_15 = vector.load %arg4[%swap3A, %swap3A_14] : memref<1000x128xf32, #tpu.memory_space<vmem>>, vector<1000x128xf32>
    tpu.vector_store %arg4[%swap3A, %swap3A_14], %mul3A {strides = array<i32>} : memref<1000x128xf32, #tpu.memory_space<vmem>>, vector<1000x128xf32>,
    %swap3A_16 = arith.constant 0 : index
    %swap3A_17 = arith.constant 0 : index
    %swap3A_18 = vector.load %arg5[%swap3A_16, %swap3A_17] : memref<1000x128xf32, #tpu.memory_space<vmem>>, vector<1000x128xf32>
    tpu.vector_store %arg5[%swap3A_16, %swap3A_17], %broadcast_in_dim3A_6 {strides = array<i32>} : memref<1000x128xf32, #tpu.memory_space<vmem>>, vector<1000x128xf32>,
    return
  }
  func.func @transform_0(%arg0: i32) -> (i32, i32) {
    %c0_i32 = arith.constant 0 : i32
    %c0_i32_0 = arith.constant 0 : i32
    return %arg0, %c0_i32 : i32, i32
  }
  func.func @transform_1(%arg0: i32) -> (i32, i32) {
    %c0_i32 = arith.constant 0 : i32
    %c0_i32_0 = arith.constant 0 : i32
    %c0_i32_1 = arith.constant 0 : i32
    return %c0_i32, %c0_i32_0 : i32, i32
  }
  func.func @transform_2(%arg0: i32) -> (i32, i32) {
    %c0_i32 = arith.constant 0 : i32
    %c0_i32_0 = arith.constant 0 : i32
    return %arg0, %c0_i32 : i32, i32
  }
  func.func @transform_3(%arg0: i32) -> (i32, i32) {
    %c0_i32 = arith.constant 0 : i32
    %c0_i32_0 = arith.constant 0 : i32
    return %arg0, %c0_i32 : i32, i32
  }
  func.func @transform_4(%arg0: i32) -> (i32, i32) {
    %c0_i32 = arith.constant 0 : i32
    %c0_i32_0 = arith.constant 0 : i32
    return %arg0, %c0_i32 : i32, i32
  }
}

module attributes {stable_mosaic.version = 14 : i64} {
  func.func @body(%arg0: i32, %arg1: memref<2x1000x128xf32, #tpu.memory_space<vmem>>, %arg2: memref<1000x128xf32, #tpu.memory_space<vmem>>, %arg3: memref<1000x128xf32, #tpu.memory_space<vmem>>, %arg4: memref<1x128xf32, #tpu.memory_space<vmem>>, %arg5: memref<128x128xf32, #tpu.memory_space<vmem>>, %arg6: memref<1000x128xf32, #tpu.memory_space<vmem>>) attributes {dimension_semantics = [#tpu.dimension_semantics<arbitrary>], iteration_bounds = array<i64: 10>, scalar_prefetch = 0 : i64, scratch_operands = 0 : i64, tpu.core_type = #tpu.core_type<tc>, window_params = [{transform_indices = @transform_0, window_bounds = array<i64: 2, 1000, 128>}, {transform_indices = @transform_1, window_bounds = array<i64: 1000, 128>}, {transform_indices = @transform_2, window_bounds = array<i64: 1000, 128>}, {pipeline_mode = #tpu.pipeline_mode<synchronous>, transform_indices = @transform_3, window_bounds = array<i64: 1, 128>}, {pipeline_mode = #tpu.pipeline_mode<synchronous>, transform_indices = @transform_4, window_bounds = array<i64: 128, 128>}, {transform_indices = @transform_5, window_bounds = array<i64: 1000, 128>}]} {
    %get3A = arith.constant 0 : index
    %get3A_0 = arith.constant 0 : index
    %get3A_1 = vector.load %arg3[%get3A, %get3A_0] : memref<1000x128xf32, #tpu.memory_space<vmem>>, vector<1000x128xf32>
    %get3A_2 = arith.constant 0 : index
    %get3A_3 = arith.constant 0 : index
    %get3A_4 = arith.constant 0 : index
    %get3A_5 = vector.load %arg1[%get3A_2, %get3A_3, %get3A_4] : memref<2x1000x128xf32, #tpu.memory_space<vmem>>, vector<1x1000x128xf32>
    %get3A_6 = vector.shape_cast %get3A_5 : vector<1x1000x128xf32> to vector<1000x128xf32>
    %get3A_7 = arith.constant 1 : index
    %get3A_8 = arith.constant 0 : index
    %get3A_9 = arith.constant 0 : index
    %get3A_10 = vector.load %arg1[%get3A_7, %get3A_8, %get3A_9] : memref<2x1000x128xf32, #tpu.memory_space<vmem>>, vector<1x1000x128xf32>
    %get3A_11 = vector.shape_cast %get3A_10 : vector<1x1000x128xf32> to vector<1000x128xf32>
    %add3A = arith.addf %get3A_6, %get3A_11 : vector<1000x128xf32>
    %get3A_12 = arith.constant 0 : index
    %get3A_13 = arith.constant 0 : index
    %get3A_14 = vector.load %arg2[%get3A_12, %get3A_13] : memref<1000x128xf32, #tpu.memory_space<vmem>>, vector<1000x128xf32>
    %add3A_15 = arith.addf %add3A, %get3A_14 : vector<1000x128xf32>
    %mul3A = arith.mulf %get3A_1, %add3A_15 : vector<1000x128xf32>
    %get3A_16 = arith.constant 0 : index
    %get3A_17 = arith.constant 0 : index
    %get3A_18 = vector.load %arg4[%get3A_16, %get3A_17] : memref<1x128xf32, #tpu.memory_space<vmem>>, vector<1x128xf32>
    %add3A_19 = vector.broadcast %get3A_18 : vector<1x128xf32> to vector<1000x128xf32>
    %add3A_20 = arith.addf %mul3A, %add3A_19 : vector<1000x128xf32>
    %mul3A_21 = arith.constant 5.000000e-01 : f32
    %mul3A_22 = vector.broadcast %mul3A_21 : f32 to vector<1000x128xf32>
    %mul3A_23 = arith.mulf %mul3A_22, %add3A_20 : vector<1000x128xf32>
    %mul3A_24 = arith.constant 0.707106769 : f32
    %mul3A_25 = vector.broadcast %mul3A_24 : f32 to vector<1000x128xf32>
    %mul3A_26 = arith.mulf %add3A_20, %mul3A_25 : vector<1000x128xf32>
    %erf3A = math.erf %mul3A_26 : vector<1000x128xf32>
    %add3A_27 = arith.constant 1.000000e+00 : f32
    %add3A_28 = vector.broadcast %add3A_27 : f32 to vector<1000x128xf32>
    %add3A_29 = arith.addf %add3A_28, %erf3A : vector<1000x128xf32>
    %mul3A_30 = arith.mulf %mul3A_23, %add3A_29 : vector<1000x128xf32>
    %reduce_sum3A = arith.constant dense<0.000000e+00> : vector<1000xf32>
    %reduce_sum3A_31 = vector.multi_reduction <add>, %mul3A_30, %reduce_sum3A [1] : vector<1000x128xf32> to vector<1000xf32>
    %broadcast_in_dim3A = vector.shape_cast %reduce_sum3A_31 : vector<1000xf32> to vector<1000x1xf32>
    %div3A = arith.constant 1.280000e+02 : f32
    %div3A_32 = vector.broadcast %div3A : f32 to vector<1000x1xf32>
    %div3A_33 = arith.divf %broadcast_in_dim3A, %div3A_32 : vector<1000x1xf32>
    %sub3A = vector.broadcast %div3A_33 : vector<1000x1xf32> to vector<1000x128xf32>
    %sub3A_34 = arith.subf %mul3A_30, %sub3A : vector<1000x128xf32>
    %integer_pow3A = arith.mulf %sub3A_34, %sub3A_34 : vector<1000x128xf32>
    %reduce_sum3A_35 = arith.constant dense<0.000000e+00> : vector<1000xf32>
    %reduce_sum3A_36 = vector.multi_reduction <add>, %integer_pow3A, %reduce_sum3A_35 [1] : vector<1000x128xf32> to vector<1000xf32>
    %broadcast_in_dim3A_37 = vector.shape_cast %reduce_sum3A_36 : vector<1000xf32> to vector<1000x1xf32>
    %div3A_38 = arith.constant 1.280000e+02 : f32
    %div3A_39 = vector.broadcast %div3A_38 : f32 to vector<1000x1xf32>
    %div3A_40 = arith.divf %broadcast_in_dim3A_37, %div3A_39 : vector<1000x1xf32>
    %sub3A_41 = vector.broadcast %div3A_33 : vector<1000x1xf32> to vector<1000x128xf32>
    %sub3A_42 = arith.subf %mul3A_30, %sub3A_41 : vector<1000x128xf32>
    %add3A_43 = arith.constant 9.99999974E-6 : f32
    %add3A_44 = vector.broadcast %add3A_43 : f32 to vector<1000x1xf32>
    %add3A_45 = arith.addf %div3A_40, %add3A_44 : vector<1000x1xf32>
    %sqrt3A = math.sqrt %add3A_45 : vector<1000x1xf32>
    %div3A_46 = vector.broadcast %sqrt3A : vector<1000x1xf32> to vector<1000x128xf32>
    %div3A_47 = arith.divf %sub3A_42, %div3A_46 : vector<1000x128xf32>
    %get3A_48 = arith.constant 0 : index
    %get3A_49 = arith.constant 0 : index
    %get3A_50 = vector.load %arg5[%get3A_48, %get3A_49] : memref<128x128xf32, #tpu.memory_space<vmem>>, vector<128x128xf32>
    %dot_general3A = arith.constant dense<0.000000e+00> : vector<1000x128xf32>
    %dot_general3A_51 = tpu.matmul %div3A_47, %get3A_50, %dot_general3A {dimension_numbers = #tpu.dot_dimension_numbers<[1], [0], [0], [1], [0, 0, 1, 1], [], []>, transpose_lhs_hint = false} : vector<1000x128xf32>, vector<128x128xf32>, vector<1000x128xf32> -> vector<1000x128xf32>
    %mul3A_52 = arith.mulf %dot_general3A_51, %get3A_1 : vector<1000x128xf32>
    %swap3A = arith.constant 0 : index
    %swap3A_53 = arith.constant 0 : index
    %swap3A_54 = vector.load %arg6[%swap3A, %swap3A_53] : memref<1000x128xf32, #tpu.memory_space<vmem>>, vector<1000x128xf32>
    tpu.vector_store %arg6[%swap3A, %swap3A_53], %mul3A_52 {strides = array<i32>} : memref<1000x128xf32, #tpu.memory_space<vmem>>, vector<1000x128xf32>,
    return
  }
  func.func @transform_0(%arg0: i32) -> (i32, i32, i32) {
    %c0_i32 = arith.constant 0 : i32
    %c0_i32_0 = arith.constant 0 : i32
    %c0_i32_1 = arith.constant 0 : i32
    return %c0_i32, %arg0, %c0_i32_0 : i32, i32, i32
  }
  func.func @transform_1(%arg0: i32) -> (i32, i32) {
    %c0_i32 = arith.constant 0 : i32
    %c0_i32_0 = arith.constant 0 : i32
    return %arg0, %c0_i32 : i32, i32
  }
  func.func @transform_2(%arg0: i32) -> (i32, i32) {
    %c0_i32 = arith.constant 0 : i32
    %c0_i32_0 = arith.constant 0 : i32
    return %arg0, %c0_i32 : i32, i32
  }
  func.func @transform_3(%arg0: i32) -> (i32, i32) {
    %c0_i32 = arith.constant 0 : i32
    %c0_i32_0 = arith.constant 0 : i32
    %c0_i32_1 = arith.constant 0 : i32
    return %c0_i32, %c0_i32_0 : i32, i32
  }
  func.func @transform_4(%arg0: i32) -> (i32, i32) {
    %c0_i32 = arith.constant 0 : i32
    %c0_i32_0 = arith.constant 0 : i32
    %c0_i32_1 = arith.constant 0 : i32
    return %c0_i32, %c0_i32_0 : i32, i32
  }
  func.func @transform_5(%arg0: i32) -> (i32, i32) {
    %c0_i32 = arith.constant 0 : i32
    %c0_i32_0 = arith.constant 0 : i32
    return %arg0, %c0_i32 : i32, i32
  }
}

module attributes {stable_mosaic.version = 14 : i64} {
  func.func @body(%arg0: i32, %arg1: memref<2x1000x128xf32, #tpu.memory_space<vmem>>, %arg2: memref<1000x128xf32, #tpu.memory_space<vmem>>, %arg3: memref<1000x128xf32, #tpu.memory_space<vmem>>, %arg4: memref<1x128xf32, #tpu.memory_space<vmem>>, %arg5: memref<1000x128xf32, #tpu.memory_space<vmem>>) attributes {dimension_semantics = [#tpu.dimension_semantics<arbitrary>], iteration_bounds = array<i64: 10>, scalar_prefetch = 0 : i64, scratch_operands = 0 : i64, tpu.core_type = #tpu.core_type<tc>, window_params = [{transform_indices = @transform_0, window_bounds = array<i64: 2, 1000, 128>}, {transform_indices = @transform_1, window_bounds = array<i64: 1000, 128>}, {transform_indices = @transform_2, window_bounds = array<i64: 1000, 128>}, {pipeline_mode = #tpu.pipeline_mode<synchronous>, transform_indices = @transform_3, window_bounds = array<i64: 1, 128>}, {transform_indices = @transform_4, window_bounds = array<i64: 1000, 128>}]} {
    %get3A = arith.constant 0 : index
    %get3A_0 = arith.constant 0 : index
    %get3A_1 = vector.load %arg3[%get3A, %get3A_0] : memref<1000x128xf32, #tpu.memory_space<vmem>>, vector<1000x128xf32>
    %get3A_2 = arith.constant 0 : index
    %get3A_3 = arith.constant 0 : index
    %get3A_4 = arith.constant 0 : index
    %get3A_5 = vector.load %arg1[%get3A_2, %get3A_3, %get3A_4] : memref<2x1000x128xf32, #tpu.memory_space<vmem>>, vector<1x1000x128xf32>
    %get3A_6 = vector.shape_cast %get3A_5 : vector<1x1000x128xf32> to vector<1000x128xf32>
    %get3A_7 = arith.constant 1 : index
    %get3A_8 = arith.constant 0 : index
    %get3A_9 = arith.constant 0 : index
    %get3A_10 = vector.load %arg1[%get3A_7, %get3A_8, %get3A_9] : memref<2x1000x128xf32, #tpu.memory_space<vmem>>, vector<1x1000x128xf32>
    %get3A_11 = vector.shape_cast %get3A_10 : vector<1x1000x128xf32> to vector<1000x128xf32>
    %add3A = arith.addf %get3A_6, %get3A_11 : vector<1000x128xf32>
    %get3A_12 = arith.constant 0 : index
    %get3A_13 = arith.constant 0 : index
    %get3A_14 = vector.load %arg2[%get3A_12, %get3A_13] : memref<1000x128xf32, #tpu.memory_space<vmem>>, vector<1000x128xf32>
    %add3A_15 = arith.addf %add3A, %get3A_14 : vector<1000x128xf32>
    %mul3A = arith.mulf %get3A_1, %add3A_15 : vector<1000x128xf32>
    %get3A_16 = arith.constant 0 : index
    %get3A_17 = arith.constant 0 : index
    %get3A_18 = vector.load %arg4[%get3A_16, %get3A_17] : memref<1x128xf32, #tpu.memory_space<vmem>>, vector<1x128xf32>
    %add3A_19 = vector.broadcast %get3A_18 : vector<1x128xf32> to vector<1000x128xf32>
    %add3A_20 = arith.addf %mul3A, %add3A_19 : vector<1000x128xf32>
    %mul3A_21 = arith.constant 5.000000e-01 : f32
    %mul3A_22 = vector.broadcast %mul3A_21 : f32 to vector<1000x128xf32>
    %mul3A_23 = arith.mulf %mul3A_22, %add3A_20 : vector<1000x128xf32>
    %mul3A_24 = arith.constant 0.707106769 : f32
    %mul3A_25 = vector.broadcast %mul3A_24 : f32 to vector<1000x128xf32>
    %mul3A_26 = arith.mulf %add3A_20, %mul3A_25 : vector<1000x128xf32>
    %erf3A = math.erf %mul3A_26 : vector<1000x128xf32>
    %add3A_27 = arith.constant 1.000000e+00 : f32
    %add3A_28 = vector.broadcast %add3A_27 : f32 to vector<1000x128xf32>
    %add3A_29 = arith.addf %add3A_28, %erf3A : vector<1000x128xf32>
    %mul3A_30 = arith.mulf %mul3A_23, %add3A_29 : vector<1000x128xf32>
    %swap3A = arith.constant 0 : index
    %swap3A_31 = arith.constant 0 : index
    %swap3A_32 = vector.load %arg5[%swap3A, %swap3A_31] : memref<1000x128xf32, #tpu.memory_space<vmem>>, vector<1000x128xf32>
    tpu.vector_store %arg5[%swap3A, %swap3A_31], %mul3A_30 {strides = array<i32>} : memref<1000x128xf32, #tpu.memory_space<vmem>>, vector<1000x128xf32>,
    return
  }
  func.func @transform_0(%arg0: i32) -> (i32, i32, i32) {
    %c0_i32 = arith.constant 0 : i32
    %c0_i32_0 = arith.constant 0 : i32
    %c0_i32_1 = arith.constant 0 : i32
    return %c0_i32, %arg0, %c0_i32_0 : i32, i32, i32
  }
  func.func @transform_1(%arg0: i32) -> (i32, i32) {
    %c0_i32 = arith.constant 0 : i32
    %c0_i32_0 = arith.constant 0 : i32
    return %arg0, %c0_i32 : i32, i32
  }
  func.func @transform_2(%arg0: i32) -> (i32, i32) {
    %c0_i32 = arith.constant 0 : i32
    %c0_i32_0 = arith.constant 0 : i32
    return %arg0, %c0_i32 : i32, i32
  }
  func.func @transform_3(%arg0: i32) -> (i32, i32) {
    %c0_i32 = arith.constant 0 : i32
    %c0_i32_0 = arith.constant 0 : i32
    %c0_i32_1 = arith.constant 0 : i32
    return %c0_i32, %c0_i32_0 : i32, i32
  }
  func.func @transform_4(%arg0: i32) -> (i32, i32) {
    %c0_i32 = arith.constant 0 : i32
    %c0_i32_0 = arith.constant 0 : i32
    return %arg0, %c0_i32 : i32, i32
  }
}

</mosaic_0001>

<sc_bundles>
// kernel: kernel.11.cloned.1.call-start
scs
__scs_entry_jumppad:
0x0: {  	(pc) =	sbr.rel $0x88, $3  }
0x1: {  	(tag) =	ssettag $0x0;
	lr =	simm.s32 $0x1  }
0x2: {  	[smem:$0x3F9B] =	sst lr;
	_ =	strace $0xD0000000  }
0x3: {  	_ = 	snop  }
0x4: {  	_ = 	snop  }
0x5: {  	_ = 	snop  }
0x6: {  	_ = 	snop  }
0x7: {  	_ = 	snop  }
__scs_overlays_trampoline_lowered:
0x8: {  	[smem:$0x3FAA] =	sst s0  }
0x9: {  	[smem:$0x3FAB] =	sst s1  }
0xa: {  	[smem:$0x3FAC] =	sst s2  }
0xb: {  	[smem:$0x3FAD] =	sst s3  }
0xc: {  	[smem:$0x3FAE] =	sst s4  }
0xd: {  	[smem:$0x3FAF] =	sst s5  }
0xe: {  	[smem:$0x3FB0] =	sst s6  }
0xf: {  	[smem:$0x3FB1] =	sst s7  }
0x10: {  	[smem:$0x3FB2] =	sst s8  }
0x11: {  	[smem:$0x3FB3] =	sst s9;
	s0 =	simm.s32 @!p0 $0x0  }
0x12: {  	s1 =	sld [smem:$0x3F99];
	s0 =	simm.s32 @p0 $0x1  }
0x13: {  	[smem:$0x3FB4] =	sst s0;
	s0 =	simm.s32 @!p1 $0x0  }
0x14: {  	s2 =	sld [smem:$0x3F98];
	s0 =	simm.s32 @p1 $0x1  }
0x15: {  	[smem:$0x3FB5] =	sst s0;
	s0 =	simm.s32 @!p2 $0x0  }
0x16: {  	s3 =	sld [smem:$0x3FDB];
	s0 =	simm.s32 @p2 $0x1  }
0x17: {  	s4 =	simm.s32 $0x1BF5;
	[smem:$0x3FB7] =	sst s0  }
0x18: {  	s0 =	sld [smem:$0x3F9A];
	_ =	swait.ge [sflag:s4], $0x0  }
0x19: {  	s7 =	sld [smem:$0x3F9B]  }
0x1a: {  	s8 =	sadd.s32 $0xFFFFE003, lr  }
0x1b: {  	s9 =	sadd.s32 $0xFFFFFEF7, lr;
	s5 =	simm.s32 $0xFFFFFFFF;
	p2 =	slt.u32 s8, $0xFFFFF086  }
0x1c: {  	p1 =	slt.u32 s9, $0xF7A;
	s5 =	simm.s32 @!p2 $0x0  }
0x1d: {  	s5 =	simm.s32 @p1 $0x1;
	p0 =	seq.s32 s7, s2  }
0x1e: {  	s7 =	smul.u32 @!p0 $0xF7A, s2;
	p2 =	seq.s32 @!p0 s5, $0x0  }
0x1f: {  	s9 =	smul.u32 $0xF7A, s1;
	s8 =	simm.s32 @!p0 $0x1BF5;
	p2 =	por !p2, p0  }
0x20: {  	[sflag:s8] =	ssyncset.s32 @!p0 $0xFFFFF086;
	s6 =	sadd.s32 @!p0 s3, s7;
	s7 =	simm.s32 @!p0 $0x108  }
0x21: {  	s3 =	sadd.s32 s3, s9;
	s6 =	sadd.s32 @!p0 $0x88, s6;
	s7 =	simm.s32 @p2 $0x1082  }
0x22: {  	[simem:s7], [sflag:s8] =	dma.local @!p0 [hbm:s6], $0xF7A  }
0x23: {  	s9 =	sor.u32 $0xD0000000, s2;
	s6 =	simm.s32 $0x108;
	_ =	swait.ge @!p0 [sflag:s8], $0x0  }
0x24: {  	s3 =	sadd.s32 $0x88, s3;
	s6 =	simm.s32 @!p1 $0x1082;
	[sflag:s4] =	ssyncset.s32 $0xFFFFF086  }
0x25: {  	[simem:s6], [sflag:s4] =	dma.local [hbm:s3], $0xF7A  }
0x26: {  	[smem:$0x3F9B] =	sst s1;
	(tag) =	ssettag s2;
	_ =	strace s9  }
0x27: {  	s1 =	sld [smem:$0x3FAB]  }
0x28: {  	s2 =	sld [smem:$0x3FAC]  }
0x29: {  	s4 =	sld [smem:$0x3FAE]  }
0x2a: {  	p0 =	seq.s32 s5, $0x0;
	s5 =	sld [smem:$0x3FAF]  }
0x2b: {  	s6 =	sld [smem:$0x3FB0]  }
0x2c: {  	s7 =	sld [smem:$0x3FB1]  }
0x2d: {  	s3 =	simm.s32 $0x108;
	s8 =	sld [smem:$0x3FB2]  }
0x2e: {  	s3 =	simm.s32 @!p0 $0x1082;
	s9 =	sld [smem:$0x3FB3]  }
0x2f: {  	lr =	sadd.s32 s0, s3;
	s0 =	sld [smem:$0x3FAA]  }
0x30: {  	s3 =	sld [smem:$0x3FAD]  }
0x31: {  	[smem:$0x3FB6] =	sst s10  }
0x32: {  	s10 =	sld [smem:$0x3FB4];
	_ =	sdelay $0x3  }
0x33: {  	p0 =	seq.s32 s10, $0x1;
	s10 =	sld [smem:$0x3FB6];
	_ =	sdelay $0x3  }
0x34: {  	[smem:$0x3FB6] =	sst s10  }
0x35: {  	s10 =	sld [smem:$0x3FB5];
	_ =	sdelay $0x3  }
0x36: {  	p1 =	seq.s32 s10, $0x1;
	s10 =	sld [smem:$0x3FB6];
	_ =	sdelay $0x3  }
0x37: {  	[smem:$0x3FB6] =	sst s10  }
0x38: {  	s10 =	sld [smem:$0x3FB7]  }
0x39: {  	_ = 	snop;
	(pc) =	sbr.ind lr, $3  }
0x3a: {  	_ = 	snop  }
0x3b: {  	_ = 	snop  }
0x3c: {  	p2 =	seq.s32 s10, $0x1;
	s10 =	sld [smem:$0x3FB6]  }
0x3d: {  	_ =	shalt  }
0x3e: {  	_ =	shalt  }
0x3f: {  	_ =	shalt  }
0x40: {  	_ =	shalt  }
0x41: {  	_ =	shalt  }
0x42: {  	_ =	shalt  }
0x43: {  	_ =	shalt  }
0x44: {  	_ =	shalt  }
0x45: {  	_ =	shalt  }
0x46: {  	_ =	shalt  }
0x47: {  	_ =	shalt  }
0x48: {  	_ =	shalt  }
0x49: {  	_ =	shalt  }
0x4a: {  	_ =	shalt  }
0x4b: {  	_ =	shalt  }
0x4c: {  	_ =	shalt  }
0x4d: {  	_ =	shalt  }
0x4e: {  	_ =	shalt  }
0x4f: {  	_ =	shalt  }
0x50: {  	_ =	shalt  }
0x51: {  	_ =	shalt  }
0x52: {  	_ =	shalt  }
0x53: {  	_ =	shalt  }
0x54: {  	_ =	shalt  }
0x55: {  	_ =	shalt  }
0x56: {  	_ =	shalt  }
0x57: {  	_ =	shalt  }
0x58: {  	_ =	shalt  }
0x59: {  	_ =	shalt  }
0x5a: {  	_ =	shalt  }
0x5b: {  	_ =	shalt  }
0x5c: {  	_ =	shalt  }
0x5d: {  	_ =	shalt  }
0x5e: {  	_ =	shalt  }
0x5f: {  	_ =	shalt  }
0x60: {  	_ =	shalt  }
0x61: {  	_ =	shalt  }
0x62: {  	_ =	shalt  }
0x63: {  	_ =	shalt  }
0x64: {  	_ =	shalt  }
0x65: {  	_ =	shalt  }
0x66: {  	_ =	shalt  }
0x67: {  	_ =	shalt  }
0x68: {  	_ =	shalt  }
0x69: {  	_ =	shalt  }
0x6a: {  	_ =	shalt  }
0x6b: {  	_ =	shalt  }
0x6c: {  	_ =	shalt  }
0x6d: {  	_ =	shalt  }
0x6e: {  	_ =	shalt  }
0x6f: {  	_ =	shalt  }
0x70: {  	_ =	shalt  }
0x71: {  	_ =	shalt  }
0x72: {  	_ =	shalt  }
0x73: {  	_ =	shalt  }
0x74: {  	_ =	shalt  }
0x75: {  	_ =	shalt  }
0x76: {  	_ =	shalt  }
0x77: {  	_ =	shalt  }
0x78: {  	_ =	shalt  }
0x79: {  	_ =	shalt  }
0x7a: {  	_ =	shalt  }
0x7b: {  	_ =	shalt  }
0x7c: {  	_ =	shalt  }
0x7d: {  	_ =	shalt  }
0x7e: {  	_ =	shalt  }
0x7f: {  	_ =	shalt  }
0x80: {  	_ =	shalt  }
0x81: {  	_ =	shalt  }
0x82: {  	_ =	shalt  }
0x83: {  	_ =	shalt  }
0x84: {  	_ =	shalt  }
0x85: {  	_ =	shalt  }
0x86: {  	_ =	shalt  }
0x87: {  	_ =	shalt  }
.Lfunc_end0:
.L_simem_size_0:
called_computation.1_lowered:
.L_overlay_start_0:
0x88: {  	s2 =	sld [smem:$0x3FD9]  }
0x89: {  	s3 =	sld [smem:$0x3FFE];
	_ =	sdelay $0x1  }
0x8a: {  	s1 =	srdreg.scid  }
0x8b: {  	s0 =	sand.u32 $0x1, s1  }
0x8c: {  	s17 =	sshll.u32 s0, $0xA;
	s2 =	sadd.s32 s3, s2  }
0x8d: {  	s2 =	sadd.s32 s2, s17  }
0x8e: {  	[smem:$0x3FC2] =	sst s2  }
0x8f: {  	_ = 	snop  }
0x90: {  	s2 =	sld [smem:$0x3FD0];
	(tm) =	ssettm $0x1  }
0x91: {  	s18 =	sld [smem:$0x3FFB];
	_ =	sdelay $0x3  }
0x92: {  	_ =	strace s18  }
0x93: {  	s3 =	sld [smem:$0x3FFC];
	_ =	sdelay $0x3  }
0x94: {  	_ =	strace s3  }
0x95: {  	s3 =	sld [smem:$0x3FFD];
	_ =	sdelay $0x3  }
0x96: {  	_ =	strace s3  }
0x97: {  	_ =	strace $0x8FFFFFFF  }
0x98: {  	s19 =	sld [smem:$0x3FDB];
	_ =	sdelay $0x1  }
0x99: {  	s4 =	simm.s32 $_scs_section_size  }
0x9a: {  	s5 =	simm.s32 $_size__tile_overlayer_lowered;
	s6 =	simm.s32 $_tile_overlayer_lowered  }
0x9b: {  	s22 =	simm.s32 $0x1BFF;
	s21 =	sshll.u32 s6, $0x1;
	s3 =	sadd.s32 s4, s19  }
0x9c: {  	s7 =	simm.s32 $0x0;
	s20 =	sshll.u32 s5, $0x1;
	s5 =	sadd.s32 s21, s3  }
0x9d: {  	[timem:s7], [sflag:s22] =	dma.local [hbm:s5], s20  }
0x9e: {  	_ =	swait.ge [sflag:s22], s20  }
0x9f: {  	s4 =	ssub.s32 $0x0, s20;
	[sflag:s22] =	ssyncset.done $0x0  }
0xa0: {  	[sflag:s22] =	ssyncadd.s32 s4;
	_ =	sdelay $0x1  }
0xa1: {  	s23 =	simm.s32 $0x1B8B  }
0xa2: {  	_ =	swait.ge [sflag:s23], $0x1  }
0xa3: {  	[sflag:s23] =	ssyncset.done $0x0  }
0xa4: {  	s25 =	simm.s32 $0x1B8E;
	s24 =	sld [smem:$0x3FFE];
	[sflag:s23] =	ssyncadd.s32 $0xFFFFFFFF  }
0xa5: {  	s26 =	simm.s32 $execute0_lowered;
	[smem:$0x3FD2] =	sst s25  }
0xa6: {  	s5 =	sshll.u32 s26, $0x1;
	_ =	strace $0x80000049;
	[dreg:$0x1] =	wrdreg $0xFFFFFFFF  }
0xa7: {  	s28 =	simm.s32 $_size_execute0_lowered;
	s3 =	sadd.s32 s3, s5;
	[dreg:$0x0] =	wrdreg $0x0  }
0xa8: {  	s5 =	sshll.u32 s28, $0x1;
	[dreg:$0x2] =	wrdreg s3  }
0xa9: {  	[dreg:$0x3] =	wrdreg s5  }
0xaa: {  	[dreg:$0x4] =	wrdreg $0xC0  }
0xab: {  	_ =	task [dreg:s7], $0x5FFFF  }
0xac: {  	[dreg:$0x1] =	wrdreg $0xFFFFFFFF  }
0xad: {  	[dreg:$0x0] =	wrdreg $0x60  }
0xae: {  	[dreg:$0x2] =	wrdreg s2  }
0xaf: {  	[dreg:$0x3] =	wrdreg s24  }
0xb0: {  	[dreg:$0x4] =	wrdreg $0xB0000  }
0xb1: {  	[dreg:$0x5] =	wrdreg $0x9  }
0xb2: {  	_ =	task.clear_ibuf [dreg:s7], $0x6FFFF;
	_ =	strace $0x90000049  }
0xb3: {  	s29 =	simm.s32 $0x9;
	_ =	strace $0x8000004B  }
0xb4: {  	_ =	swait.ge [sflag:s29], $0x1  }
0xb5: {  	[sflag:s29] =	ssyncadd.s32 $0xFFFFFFFF  }
0xb6: {  	_ =	strace $0x9000004B  }
0xb7: {  	_ =	sfence  }
0xb8: {  	s30 =	sld [smem:$0x0];
	_ =	sdelay $0x2  }
0xb9: {  	s31 =	sshll.u32 s1, $0xD;
	s1 =	sshrl.u32 s1, $0x2  }
0xba: {  	s3 =	sand.u32 $0x4000, s31;
	s1 =	sadd.s32 s1, s30  }
0xbb: {  	s0 =	sor.u32 s3, s0;
	s1 =	sshll.u32 s1, $0x11  }
0xbc: {  	s0 =	sor.u32 s1, s0  }
0xbd: {  	s0 =	sadd.s32 $0x8F2B, s0  }
0xbe: {  	[sflag:s0] =	ssyncadd.remote.s32 $0x1  }
0xbf: {  	_ =	sfence.sel $0xFFFF  }
0xc0: {  	[dreg:$0x0] =	wrdreg $0xFFFFFFFF;
	(pc) =	sbr.abs _section_cstart, $3  }
0xc1: {  	[dreg:$0x1] =	wrdreg $0xFFFFFFFF  }
0xc2: {  	_ =	task.clear_ibuf [dreg:s7], $0x2FFFF;
	_ =	strace $0x9FFFFFFF  }
0xc3: {  	(tm) =	ssettm $0x7FFFFFFF  }
tec
execute0_lowered:
.L_overlay_start_1:
0x0: {  	(tag) =	ssettag $0x1  }
0x1: {  	s1 =	rddreg [dreg:$0x0]  }
0x2: {  	s6 =	rddreg [dreg:$0x1]  }
0x3: {  	s2 =	rddreg [dreg:$0x2]  }
0x4: {  	s0 =	rddreg [dreg:$0x3];
	s3 =	simm.s32 $0x0;
	s4 =	srdreg.scid  }
0x5: {  	s17 =	simm.s32 $0x1;
	[smem:$0x7FF] =	sst s3;
	s12 =	sand.u32 $0x1, s4  }
0x6: {  	s9 =	sadd.s32 $0x1E00, s6;
	s4 =	stileid.u32;
	s7 =	smul.u32 $0x28000, s12  }
0x7: {  	s10 =	sadd.s32 $0x6E00, s6;
	s5 =	sadd.s32 $0xBE00, s6;
	s11 =	smul.u32 $0x50000, s4  }
0x8: {  	_ =	strace $0x8000004A;
	s8 =	ssub.s32 $0x2, s12;
	s15 =	smul.u32 $0x300, s4  }
0x9: {  	s29 =	sshll.u32 s4, $0x9;
	s30 =	sshll.u32 s4, $0x6;
	s19 =	smul.u32 $0x2800, s4  }
0xa: {  	p0 =	sne.s32 s12, $0x0;
	s26 =	sshrl.u32 s8, $0x1;
	s31 =	sadd.s32 $0x3000, s29  }
0xb: {  	s13 =	sadd.s32 s7, s6;
	s14 =	ssub.s32 s8, s26;
	s28 =	sshrl.u32 s11, $0x2  }
0xc: {  	s6 =	sor.u32 $0x1C02, s30;
	s7 =	sadd.s32 s9, s31;
	s8 =	sadd.s32 s10, s31  }
0xd: {  	s9 =	sadd.s32 s9, s15;
	s10 =	sadd.s32 s10, s15;
	s15 =	simm.s32 $0x3000  }
0xe: {  	s16 =	sadd.s32 s28, s2;
	s18 =	sadd.s32 $0xE600, s13;
	s11 =	smax.u32 s14, $0x1  }
0xf: {  	s13 =	simm.s32 $0x2;
	s14 =	simm.s32 $0x80;
	s12 =	sshrl.u32 s16, $0x3  }
0x10: {  	s16 =	simm.s32 $0x7000;
	s18 =	sadd.s32 s19, s18;
	s19 =	simm.s32 $0x0  }
.LBB2_1:
0x11: {  	[spmem:s12], [sflag:s6] =	dma.local [hbm:s5], $0x2800  }
0x12: {  	_ =	swait.ge [sflag:s13], $0x2800  }
0x13: {  	[sflag:s13] =	ssyncset.done $0x0  }
0x14: {  	s20 =	simm.s32 @p0 $0x0;
	s21 =	simm.s32 @p0 $0x2;
	[sflag:s13] =	ssyncadd.s32 $0xFFFFD800  }
0x15: {  	[tilespmem:s20], [sflag:$0x2] =	stream.linear.gather @p0 [hbm4b:s7+s20], $0x1000, $0x38;
	[tilespmem:$0x1F000] =	vst v63  }
0x16: {  	_ =	swait.ge @p0 [sflag:s21], $0x1000  }
0x17: {  	[sflag:s21] =	ssyncset.done @p0 $0x0  }
0x18: {  	s22 =	simm.s32 @p0 $0x1800;
	[sflag:s21] =	ssyncadd.s32 @p0 $0xFFFFF000  }
0x19: {  	[tilespmem:s22], [sflag:$0x2] =	stream.linear.gather @p0 [hbm4b:s8+s20], $0x1000, $0x38;
	[tilespmem:$0x1F000] =	vst v63  }
0x1a: {  	_ =	swait.ge @p0 [sflag:s21], $0x1000  }
0x1b: {  	[sflag:s21] =	ssyncset.done @p0 $0x0  }
0x1c: {  	s20 =	simm.s32 @!p0 $0x0;
	[sflag:s21] =	ssyncadd.s32 @p0 $0xFFFFF000;
	s21 =	simm.s32 @!p0 $0x2  }
0x1d: {  	[tilespmem:s20], [sflag:$0x2] =	stream.linear.gather @!p0 [hbm4b:s9+s20], $0x1800, $0x38;
	[tilespmem:$0x1F000] =	vst v63  }
0x1e: {  	_ =	swait.ge @!p0 [sflag:s21], $0x1800  }
0x1f: {  	[sflag:s21] =	ssyncset.done @!p0 $0x0  }
0x20: {  	s22 =	simm.s32 @!p0 $0x1800;
	[sflag:s21] =	ssyncadd.s32 @!p0 $0xFFFFE800  }
0x21: {  	[tilespmem:s22], [sflag:$0x2] =	stream.linear.gather @!p0 [hbm4b:s10+s20], $0x1800, $0x38;
	[tilespmem:$0x1F000] =	vst v63  }
0x22: {  	_ =	swait.ge @!p0 [sflag:s21], $0x1800  }
0x23: {  	[sflag:s21] =	ssyncset.done @!p0 $0x0  }
0x24: {  	[sflag:s21] =	ssyncadd.s32 @!p0 $0xFFFFE800  }
0x25: {  	[bflag:$0x0] =	sbarrier.arrive $0xFFFF  }
0x26: {  	[tilespmem:s15], [sflag:$0x1] =	stream.indirect.gather [hbm4b:s1+s14], $0x80, s3, s14, $0xb8;
	[tilespmem:$0x1F000] =	vst v63  }
0x27: {  	s30 =	simm.s32 $0x80  }
0x28: {  	[tilespmem:s16], [sflag:$0x1] =	stream.indirect.gather [hbm4b:s1+s14], $0x80, s30, s14, $0xb8;
	[tilespmem:$0x1F000] =	vst v63  }
0x29: {  	_ =	swait.ge [sflag:s17], $0x4000  }
0x2a: {  	[sflag:s17] =	ssyncset.done $0x0  }
0x2b: {  	s20 =	simm.s32 $0x1800;
	[sflag:s17] =	ssyncadd.s32 $0xFFFFC000  }
0x2c: {  	[spmem:s2] =	stream.indirect.scatter.add.f32 [tilespmem:s15], [sflag:$0x2], $0x80, s20, s14, $0xb8;
	[tilespmem:$0x1F000] =	vst v63  }
0x2d: {  	_ =	swait.ge [sflag:s13], $0x4000  }
0x2e: {  	s21 =	simm.s32 @!p0 $0x18;
	[sflag:s13] =	ssyncset.done $0x0  }
0x2f: {  	s21 =	simm.s32 @p0 $0x10;
	[sflag:s13] =	ssyncadd.s32 $0xFFFFC000  }
0x30: {  	p1 =	sne.s32 s21, $0x1;
	_ =	swait.ge [sflag:s17], $0x4000  }
.Ltmp0:
0x31: {  	[sflag:s17] =	ssyncset.done $0x0;
	(pc) =	sbr.rel @!p1 .LBB2_3-.Ltmp0, $4  }
0x32: {  	s31 =	simm.s32 $0x1880;
	[sflag:s17] =	ssyncadd.s32 $0xFFFFC000  }
0x33: {  	[spmem:s2] =	stream.indirect.scatter.add.f32 [tilespmem:s16], [sflag:$0x2], $0x80, s31, s14, $0xb8;
	[tilespmem:$0x1F000] =	vst v63  }
0x34: {  	_ =	swait.ge [sflag:s13], $0x4000  }
0x35: {  	s22 =	simm.s32 $0x0;
	s21 =	sadd.s32 $0xFFFFFFFF, s21;
	[sflag:s13] =	ssyncset.done $0x0  }
.LBB2_2:
0x36: {  	[sflag:s13] =	ssyncadd.s32 $0xFFFFC000;
	s22 =	sadd.s32 $0x100, s22;
	s20 =	sadd.s32 $0x100, s20  }
0x37: {  	[tilespmem:s15], [sflag:$0x1] =	stream.indirect.gather [hbm4b:s1+s14], $0x80, s22, s14, $0xb8;
	[tilespmem:$0x1F000] =	vst v63  }
0x38: {  	p1 =	sne.s32 s21, $0x1;
	s21 =	sadd.s32 $0xFFFFFFFF, s21;
	s23 =	sadd.s32 $0x80, s22  }
0x39: {  	[tilespmem:s16], [sflag:$0x1] =	stream.indirect.gather [hbm4b:s1+s14], $0x80, s23, s14, $0xb8;
	[tilespmem:$0x1F000] =	vst v63  }
0x3a: {  	_ =	swait.ge [sflag:s17], $0x4000  }
0x3b: {  	[sflag:s17] =	ssyncset.done $0x0  }
0x3c: {  	[sflag:s17] =	ssyncadd.s32 $0xFFFFC000  }
0x3d: {  	[spmem:s2] =	stream.indirect.scatter.add.f32 [tilespmem:s15], [sflag:$0x2], $0x80, s20, s14, $0xb8;
	[tilespmem:$0x1F000] =	vst v63  }
0x3e: {  	_ =	swait.ge [sflag:s13], $0x4000  }
0x3f: {  	[sflag:s13] =	ssyncset.done $0x0  }
0x40: {  	[sflag:s13] =	ssyncadd.s32 $0xFFFFC000  }
0x41: {  	_ =	swait.ge [sflag:s17], $0x4000  }
.Ltmp1:
0x42: {  	[sflag:s17] =	ssyncset.done $0x0;
	(pc) =	sbr.rel @p1 .LBB2_2-.Ltmp1, $4  }
0x43: {  	s23 =	sadd.s32 $0x80, s20;
	[sflag:s17] =	ssyncadd.s32 $0xFFFFC000  }
0x44: {  	[spmem:s2] =	stream.indirect.scatter.add.f32 [tilespmem:s16], [sflag:$0x2], $0x80, s23, s14, $0xb8;
	[tilespmem:$0x1F000] =	vst v63  }
0x45: {  	_ =	swait.ge [sflag:s13], $0x4000  }
0x46: {  	[sflag:s13] =	ssyncset.done $0x0  }
.LBB2_3:
0x47: {  	s19 =	sadd.s32 $0x1, s19  }
0x48: {  	[sflag:s13] =	ssyncadd.s32 $0xFFFFC000;
	p1 =	sne.s32 s19, s11  }
.Ltmp2:
0x49: {  	[bflag:$0x0] =	sbarrier.arrive $0xFFFF;
	(pc) =	sbr.rel @p1 .LBB2_1-.Ltmp2, $4  }
0x4a: {  	[hbm:s18], [sflag:s6] =	dma.local [spmem:s12], $0x2800  }
0x4b: {  	_ =	swait.ge [sflag:s13], $0x2800  }
0x4c: {  	[sflag:s13] =	ssyncset.done $0x0  }
0x4d: {  	[sflag:s13] =	ssyncadd.s32 $0xFFFFD800  }
0x4e: {  	_ =	sfence.sel $0x180000  }
0x4f: {  	[bflag:$0x0] =	sbarrier.arrive $0xFFFF  }
0x50: {  	p0 =	sne.s32 s4, $0x0;
	_ =	strace $0x9000004A  }
0x51: {  	s0 =	sadd.s32 @!p0 $0x100000, s0;
	[bflag:$0x2] =	sbarrier.arrive $0xFFFF  }
0x52: {  	[sflag:s0] =	ssyncadd.tile.s32 @!p0 $0x1;
	_ =	shalt  }
.Lfunc_end2:
_tile_overlayer_lowered:
.L_overlay_start_2:
0x53: {  	(tag) =	ssettag $0x2  }
0x54: {  	s0 =	rddreg [dreg:$0x0];
	s2 =	stileid.u32  }
0x55: {  	s1 =	rddreg [dreg:$0x1];
	p0 =	sne.s32 s2, $0x0  }
0x56: {  	s3 =	rddreg [dreg:$0x2];
	[bflag:$0x3] =	sbarrier.arrive $0xFFFF;
	s2 =	simm.s32 @!p0 $0x1C02  }
0x57: {  	[timem:s3], [sflag:s2] =	dma.local @!p0 [hbm:s0], s1  }
0x58: {  	s0 =	simm.s32 @!p0 $0x2  }
0x59: {  	_ =	swait.ge @!p0 [sflag:s0], s1  }
0x5a: {  	s1 =	ssub.s32 @!p0 $0x0, s1;
	[sflag:s0] =	ssyncset.done @!p0 $0x0  }
0x5b: {  	[sflag:s0] =	ssyncadd.s32 @!p0 s1  }
0x5c: {  	[bflag:$0x3] =	sbarrier.arrive $0xFFFF  }
0x5d: {  	_ =	shalt  }

// kernel: kernel.14.cloned.1.call-start
scs
__scs_entry_jumppad:
0x0: {  	(pc) =	sbr.rel $0x88, $3  }
0x1: {  	(tag) =	ssettag $0x0;
	lr =	simm.s32 $0x1  }
0x2: {  	[smem:$0x3F9B] =	sst lr;
	_ =	strace $0xD0000000  }
0x3: {  	_ = 	snop  }
0x4: {  	_ = 	snop  }
0x5: {  	_ = 	snop  }
0x6: {  	_ = 	snop  }
0x7: {  	_ = 	snop  }
__scs_overlays_trampoline_lowered:
0x8: {  	[smem:$0x3FAA] =	sst s0  }
0x9: {  	[smem:$0x3FAB] =	sst s1  }
0xa: {  	[smem:$0x3FAC] =	sst s2  }
0xb: {  	[smem:$0x3FAD] =	sst s3  }
0xc: {  	[smem:$0x3FAE] =	sst s4  }
0xd: {  	[smem:$0x3FAF] =	sst s5  }
0xe: {  	[smem:$0x3FB0] =	sst s6  }
0xf: {  	[smem:$0x3FB1] =	sst s7  }
0x10: {  	[smem:$0x3FB2] =	sst s8  }
0x11: {  	[smem:$0x3FB3] =	sst s9;
	s0 =	simm.s32 @!p0 $0x0  }
0x12: {  	s1 =	sld [smem:$0x3F99];
	s0 =	simm.s32 @p0 $0x1  }
0x13: {  	[smem:$0x3FB4] =	sst s0;
	s0 =	simm.s32 @!p1 $0x0  }
0x14: {  	s2 =	sld [smem:$0x3F98];
	s0 =	simm.s32 @p1 $0x1  }
0x15: {  	[smem:$0x3FB5] =	sst s0;
	s0 =	simm.s32 @!p2 $0x0  }
0x16: {  	s3 =	sld [smem:$0x3FDB];
	s0 =	simm.s32 @p2 $0x1  }
0x17: {  	s4 =	simm.s32 $0x1BF5;
	[smem:$0x3FB7] =	sst s0  }
0x18: {  	s0 =	sld [smem:$0x3F9A];
	_ =	swait.ge [sflag:s4], $0x0  }
0x19: {  	s7 =	sld [smem:$0x3F9B]  }
0x1a: {  	s8 =	sadd.s32 $0xFFFFE003, lr  }
0x1b: {  	s9 =	sadd.s32 $0xFFFFFEF7, lr;
	s5 =	simm.s32 $0xFFFFFFFF;
	p2 =	slt.u32 s8, $0xFFFFF086  }
0x1c: {  	p1 =	slt.u32 s9, $0xF7A;
	s5 =	simm.s32 @!p2 $0x0  }
0x1d: {  	s5 =	simm.s32 @p1 $0x1;
	p0 =	seq.s32 s7, s2  }
0x1e: {  	s7 =	smul.u32 @!p0 $0xF7A, s2;
	p2 =	seq.s32 @!p0 s5, $0x0  }
0x1f: {  	s9 =	smul.u32 $0xF7A, s1;
	s8 =	simm.s32 @!p0 $0x1BF5;
	p2 =	por !p2, p0  }
0x20: {  	[sflag:s8] =	ssyncset.s32 @!p0 $0xFFFFF086;
	s6 =	sadd.s32 @!p0 s3, s7;
	s7 =	simm.s32 @!p0 $0x108  }
0x21: {  	s3 =	sadd.s32 s3, s9;
	s6 =	sadd.s32 @!p0 $0x88, s6;
	s7 =	simm.s32 @p2 $0x1082  }
0x22: {  	[simem:s7], [sflag:s8] =	dma.local @!p0 [hbm:s6], $0xF7A  }
0x23: {  	s9 =	sor.u32 $0xD0000000, s2;
	s6 =	simm.s32 $0x108;
	_ =	swait.ge @!p0 [sflag:s8], $0x0  }
0x24: {  	s3 =	sadd.s32 $0x88, s3;
	s6 =	simm.s32 @!p1 $0x1082;
	[sflag:s4] =	ssyncset.s32 $0xFFFFF086  }
0x25: {  	[simem:s6], [sflag:s4] =	dma.local [hbm:s3], $0xF7A  }
0x26: {  	[smem:$0x3F9B] =	sst s1;
	(tag) =	ssettag s2;
	_ =	strace s9  }
0x27: {  	s1 =	sld [smem:$0x3FAB]  }
0x28: {  	s2 =	sld [smem:$0x3FAC]  }
0x29: {  	s4 =	sld [smem:$0x3FAE]  }
0x2a: {  	p0 =	seq.s32 s5, $0x0;
	s5 =	sld [smem:$0x3FAF]  }
0x2b: {  	s6 =	sld [smem:$0x3FB0]  }
0x2c: {  	s7 =	sld [smem:$0x3FB1]  }
0x2d: {  	s3 =	simm.s32 $0x108;
	s8 =	sld [smem:$0x3FB2]  }
0x2e: {  	s3 =	simm.s32 @!p0 $0x1082;
	s9 =	sld [smem:$0x3FB3]  }
0x2f: {  	lr =	sadd.s32 s0, s3;
	s0 =	sld [smem:$0x3FAA]  }
0x30: {  	s3 =	sld [smem:$0x3FAD]  }
0x31: {  	[smem:$0x3FB6] =	sst s10  }
0x32: {  	s10 =	sld [smem:$0x3FB4];
	_ =	sdelay $0x3  }
0x33: {  	p0 =	seq.s32 s10, $0x1;
	s10 =	sld [smem:$0x3FB6];
	_ =	sdelay $0x3  }
0x34: {  	[smem:$0x3FB6] =	sst s10  }
0x35: {  	s10 =	sld [smem:$0x3FB5];
	_ =	sdelay $0x3  }
0x36: {  	p1 =	seq.s32 s10, $0x1;
	s10 =	sld [smem:$0x3FB6];
	_ =	sdelay $0x3  }
0x37: {  	[smem:$0x3FB6] =	sst s10  }
0x38: {  	s10 =	sld [smem:$0x3FB7]  }
0x39: {  	_ = 	snop;
	(pc) =	sbr.ind lr, $3  }
0x3a: {  	_ = 	snop  }
0x3b: {  	_ = 	snop  }
0x3c: {  	p2 =	seq.s32 s10, $0x1;
	s10 =	sld [smem:$0x3FB6]  }
0x3d: {  	_ =	shalt  }
0x3e: {  	_ =	shalt  }
0x3f: {  	_ =	shalt  }
0x40: {  	_ =	shalt  }
0x41: {  	_ =	shalt  }
0x42: {  	_ =	shalt  }
0x43: {  	_ =	shalt  }
0x44: {  	_ =	shalt  }
0x45: {  	_ =	shalt  }
0x46: {  	_ =	shalt  }
0x47: {  	_ =	shalt  }
0x48: {  	_ =	shalt  }
0x49: {  	_ =	shalt  }
0x4a: {  	_ =	shalt  }
0x4b: {  	_ =	shalt  }
0x4c: {  	_ =	shalt  }
0x4d: {  	_ =	shalt  }
0x4e: {  	_ =	shalt  }
0x4f: {  	_ =	shalt  }
0x50: {  	_ =	shalt  }
0x51: {  	_ =	shalt  }
0x52: {  	_ =	shalt  }
0x53: {  	_ =	shalt  }
0x54: {  	_ =	shalt  }
0x55: {  	_ =	shalt  }
0x56: {  	_ =	shalt  }
0x57: {  	_ =	shalt  }
0x58: {  	_ =	shalt  }
0x59: {  	_ =	shalt  }
0x5a: {  	_ =	shalt  }
0x5b: {  	_ =	shalt  }
0x5c: {  	_ =	shalt  }
0x5d: {  	_ =	shalt  }
0x5e: {  	_ =	shalt  }
0x5f: {  	_ =	shalt  }
0x60: {  	_ =	shalt  }
0x61: {  	_ =	shalt  }
0x62: {  	_ =	shalt  }
0x63: {  	_ =	shalt  }
0x64: {  	_ =	shalt  }
0x65: {  	_ =	shalt  }
0x66: {  	_ =	shalt  }
0x67: {  	_ =	shalt  }
0x68: {  	_ =	shalt  }
0x69: {  	_ =	shalt  }
0x6a: {  	_ =	shalt  }
0x6b: {  	_ =	shalt  }
0x6c: {  	_ =	shalt  }
0x6d: {  	_ =	shalt  }
0x6e: {  	_ =	shalt  }
0x6f: {  	_ =	shalt  }
0x70: {  	_ =	shalt  }
0x71: {  	_ =	shalt  }
0x72: {  	_ =	shalt  }
0x73: {  	_ =	shalt  }
0x74: {  	_ =	shalt  }
0x75: {  	_ =	shalt  }
0x76: {  	_ =	shalt  }
0x77: {  	_ =	shalt  }
0x78: {  	_ =	shalt  }
0x79: {  	_ =	shalt  }
0x7a: {  	_ =	shalt  }
0x7b: {  	_ =	shalt  }
0x7c: {  	_ =	shalt  }
0x7d: {  	_ =	shalt  }
0x7e: {  	_ =	shalt  }
0x7f: {  	_ =	shalt  }
0x80: {  	_ =	shalt  }
0x81: {  	_ =	shalt  }
0x82: {  	_ =	shalt  }
0x83: {  	_ =	shalt  }
0x84: {  	_ =	shalt  }
0x85: {  	_ =	shalt  }
0x86: {  	_ =	shalt  }
0x87: {  	_ =	shalt  }
.Lfunc_end0:
.L_simem_size_0:
called_computation.2_lowered:
.L_overlay_start_0:
0x88: {  	s2 =	sld [smem:$0x3FD9]  }
0x89: {  	s3 =	sld [smem:$0x3FFE];
	_ =	sdelay $0x1  }
0x8a: {  	s1 =	srdreg.scid  }
0x8b: {  	s0 =	sand.u32 $0x1, s1  }
0x8c: {  	s17 =	sshll.u32 s0, $0xA;
	s2 =	sadd.s32 s3, s2  }
0x8d: {  	s2 =	sadd.s32 s2, s17  }
0x8e: {  	[smem:$0x3FC2] =	sst s2  }
0x8f: {  	_ = 	snop  }
0x90: {  	s2 =	sld [smem:$0x3FD0];
	(tm) =	ssettm $0x1  }
0x91: {  	s18 =	sld [smem:$0x3FFB];
	_ =	sdelay $0x3  }
0x92: {  	_ =	strace s18  }
0x93: {  	s3 =	sld [smem:$0x3FFC];
	_ =	sdelay $0x3  }
0x94: {  	_ =	strace s3  }
0x95: {  	s3 =	sld [smem:$0x3FFD];
	_ =	sdelay $0x3  }
0x96: {  	_ =	strace s3  }
0x97: {  	_ =	strace $0x8FFFFFFF  }
0x98: {  	s19 =	sld [smem:$0x3FDB];
	_ =	sdelay $0x1  }
0x99: {  	s4 =	simm.s32 $_scs_section_size  }
0x9a: {  	s5 =	simm.s32 $_size__tile_overlayer_lowered;
	s6 =	simm.s32 $_tile_overlayer_lowered  }
0x9b: {  	s22 =	simm.s32 $0x1BFF;
	s21 =	sshll.u32 s6, $0x1;
	s3 =	sadd.s32 s4, s19  }
0x9c: {  	s7 =	simm.s32 $0x0;
	s20 =	sshll.u32 s5, $0x1;
	s5 =	sadd.s32 s21, s3  }
0x9d: {  	[timem:s7], [sflag:s22] =	dma.local [hbm:s5], s20  }
0x9e: {  	_ =	swait.ge [sflag:s22], s20  }
0x9f: {  	s4 =	ssub.s32 $0x0, s20;
	[sflag:s22] =	ssyncset.done $0x0  }
0xa0: {  	[sflag:s22] =	ssyncadd.s32 s4;
	_ =	sdelay $0x1  }
0xa1: {  	s23 =	simm.s32 $0x1B8B  }
0xa2: {  	_ =	swait.ge [sflag:s23], $0x1  }
0xa3: {  	[sflag:s23] =	ssyncset.done $0x0  }
0xa4: {  	s25 =	simm.s32 $0x1B8E;
	s24 =	sld [smem:$0x3FFE];
	[sflag:s23] =	ssyncadd.s32 $0xFFFFFFFF  }
0xa5: {  	s26 =	simm.s32 $execute0_lowered;
	[smem:$0x3FD2] =	sst s25  }
0xa6: {  	s5 =	sshll.u32 s26, $0x1;
	_ =	strace $0x8000004C;
	[dreg:$0x1] =	wrdreg $0xFFFFFFFF  }
0xa7: {  	s28 =	simm.s32 $_size_execute0_lowered;
	s3 =	sadd.s32 s3, s5;
	[dreg:$0x0] =	wrdreg $0x0  }
0xa8: {  	s5 =	sshll.u32 s28, $0x1;
	[dreg:$0x2] =	wrdreg s3  }
0xa9: {  	[dreg:$0x3] =	wrdreg s5  }
0xaa: {  	[dreg:$0x4] =	wrdreg $0xC0  }
0xab: {  	_ =	task [dreg:s7], $0x5FFFF  }
0xac: {  	[dreg:$0x1] =	wrdreg $0xFFFFFFFF  }
0xad: {  	[dreg:$0x0] =	wrdreg $0x60  }
0xae: {  	[dreg:$0x2] =	wrdreg s2  }
0xaf: {  	[dreg:$0x3] =	wrdreg s24  }
0xb0: {  	[dreg:$0x4] =	wrdreg $0xB0000  }
0xb1: {  	[dreg:$0x5] =	wrdreg $0x9  }
0xb2: {  	_ =	task.clear_ibuf [dreg:s7], $0x6FFFF;
	_ =	strace $0x9000004C  }
0xb3: {  	s29 =	simm.s32 $0x9;
	_ =	strace $0x8000004E  }
0xb4: {  	_ =	swait.ge [sflag:s29], $0x1  }
0xb5: {  	[sflag:s29] =	ssyncadd.s32 $0xFFFFFFFF  }
0xb6: {  	_ =	strace $0x9000004E  }
0xb7: {  	_ =	sfence  }
0xb8: {  	s30 =	sld [smem:$0x0];
	_ =	sdelay $0x2  }
0xb9: {  	s31 =	sshll.u32 s1, $0xD;
	s1 =	sshrl.u32 s1, $0x2  }
0xba: {  	s3 =	sand.u32 $0x4000, s31;
	s1 =	sadd.s32 s1, s30  }
0xbb: {  	s0 =	sor.u32 s3, s0;
	s1 =	sshll.u32 s1, $0x11  }
0xbc: {  	s0 =	sor.u32 s1, s0  }
0xbd: {  	s0 =	sadd.s32 $0x8F2B, s0  }
0xbe: {  	[sflag:s0] =	ssyncadd.remote.s32 $0x1  }
0xbf: {  	_ =	sfence.sel $0xFFFF  }
0xc0: {  	[dreg:$0x0] =	wrdreg $0xFFFFFFFF;
	(pc) =	sbr.abs _section_cstart, $3  }
0xc1: {  	[dreg:$0x1] =	wrdreg $0xFFFFFFFF  }
0xc2: {  	_ =	task.clear_ibuf [dreg:s7], $0x2FFFF;
	_ =	strace $0x9FFFFFFF  }
0xc3: {  	(tm) =	ssettm $0x7FFFFFFF  }
tec
execute0_lowered:
.L_overlay_start_1:
0x0: {  	(tag) =	ssettag $0x1  }
0x1: {  	s1 =	rddreg [dreg:$0x0]  }
0x2: {  	s6 =	rddreg [dreg:$0x1]  }
0x3: {  	s2 =	rddreg [dreg:$0x2]  }
0x4: {  	s0 =	rddreg [dreg:$0x3];
	s3 =	simm.s32 $0x0;
	s4 =	srdreg.scid  }
0x5: {  	s17 =	simm.s32 $0x1;
	[smem:$0x7FF] =	sst s3;
	s12 =	sand.u32 $0x1, s4  }
0x6: {  	s9 =	sadd.s32 $0x1E00, s6;
	s4 =	stileid.u32;
	s7 =	smul.u32 $0x28000, s12  }
0x7: {  	s10 =	sadd.s32 $0x6E00, s6;
	s5 =	sadd.s32 $0xBE00, s6;
	s11 =	smul.u32 $0x50000, s4  }
0x8: {  	_ =	strace $0x8000004D;
	s8 =	ssub.s32 $0x2, s12;
	s15 =	smul.u32 $0x300, s4  }
0x9: {  	s29 =	sshll.u32 s4, $0x9;
	s30 =	sshll.u32 s4, $0x6;
	s19 =	smul.u32 $0x2800, s4  }
0xa: {  	p0 =	sne.s32 s12, $0x0;
	s26 =	sshrl.u32 s8, $0x1;
	s31 =	sadd.s32 $0x3000, s29  }
0xb: {  	s13 =	sadd.s32 s7, s6;
	s14 =	ssub.s32 s8, s26;
	s28 =	sshrl.u32 s11, $0x2  }
0xc: {  	s6 =	sor.u32 $0x1C02, s30;
	s7 =	sadd.s32 s9, s31;
	s8 =	sadd.s32 s10, s31  }
0xd: {  	s9 =	sadd.s32 s9, s15;
	s10 =	sadd.s32 s10, s15;
	s15 =	simm.s32 $0x3000  }
0xe: {  	s16 =	sadd.s32 s28, s2;
	s18 =	sadd.s32 $0xE600, s13;
	s11 =	smax.u32 s14, $0x1  }
0xf: {  	s13 =	simm.s32 $0x2;
	s14 =	simm.s32 $0x80;
	s12 =	sshrl.u32 s16, $0x3  }
0x10: {  	s16 =	simm.s32 $0x7000;
	s18 =	sadd.s32 s19, s18;
	s19 =	simm.s32 $0x0  }
.LBB2_1:
0x11: {  	[spmem:s12], [sflag:s6] =	dma.local [hbm:s5], $0x2800  }
0x12: {  	_ =	swait.ge [sflag:s13], $0x2800  }
0x13: {  	[sflag:s13] =	ssyncset.done $0x0  }
0x14: {  	s20 =	simm.s32 @p0 $0x0;
	s21 =	simm.s32 @p0 $0x2;
	[sflag:s13] =	ssyncadd.s32 $0xFFFFD800  }
0x15: {  	[tilespmem:s20], [sflag:$0x2] =	stream.linear.gather @p0 [hbm4b:s7+s20], $0x1000, $0x38;
	[tilespmem:$0x1F000] =	vst v63  }
0x16: {  	_ =	swait.ge @p0 [sflag:s21], $0x1000  }
0x17: {  	[sflag:s21] =	ssyncset.done @p0 $0x0  }
0x18: {  	s22 =	simm.s32 @p0 $0x1800;
	[sflag:s21] =	ssyncadd.s32 @p0 $0xFFFFF000  }
0x19: {  	[tilespmem:s22], [sflag:$0x2] =	stream.linear.gather @p0 [hbm4b:s8+s20], $0x1000, $0x38;
	[tilespmem:$0x1F000] =	vst v63  }
0x1a: {  	_ =	swait.ge @p0 [sflag:s21], $0x1000  }
0x1b: {  	[sflag:s21] =	ssyncset.done @p0 $0x0  }
0x1c: {  	s20 =	simm.s32 @!p0 $0x0;
	[sflag:s21] =	ssyncadd.s32 @p0 $0xFFFFF000;
	s21 =	simm.s32 @!p0 $0x2  }
0x1d: {  	[tilespmem:s20], [sflag:$0x2] =	stream.linear.gather @!p0 [hbm4b:s9+s20], $0x1800, $0x38;
	[tilespmem:$0x1F000] =	vst v63  }
0x1e: {  	_ =	swait.ge @!p0 [sflag:s21], $0x1800  }
0x1f: {  	[sflag:s21] =	ssyncset.done @!p0 $0x0  }
0x20: {  	s22 =	simm.s32 @!p0 $0x1800;
	[sflag:s21] =	ssyncadd.s32 @!p0 $0xFFFFE800  }
0x21: {  	[tilespmem:s22], [sflag:$0x2] =	stream.linear.gather @!p0 [hbm4b:s10+s20], $0x1800, $0x38;
	[tilespmem:$0x1F000] =	vst v63  }
0x22: {  	_ =	swait.ge @!p0 [sflag:s21], $0x1800  }
0x23: {  	[sflag:s21] =	ssyncset.done @!p0 $0x0  }
0x24: {  	[sflag:s21] =	ssyncadd.s32 @!p0 $0xFFFFE800  }
0x25: {  	[bflag:$0x0] =	sbarrier.arrive $0xFFFF  }
0x26: {  	[tilespmem:s15], [sflag:$0x1] =	stream.indirect.gather [hbm4b:s1+s14], $0x80, s3, s14, $0xb8;
	[tilespmem:$0x1F000] =	vst v63  }
0x27: {  	s30 =	simm.s32 $0x80  }
0x28: {  	[tilespmem:s16], [sflag:$0x1] =	stream.indirect.gather [hbm4b:s1+s14], $0x80, s30, s14, $0xb8;
	[tilespmem:$0x1F000] =	vst v63  }
0x29: {  	_ =	swait.ge [sflag:s17], $0x4000  }
0x2a: {  	[sflag:s17] =	ssyncset.done $0x0  }
0x2b: {  	s20 =	simm.s32 $0x1800;
	[sflag:s17] =	ssyncadd.s32 $0xFFFFC000  }
0x2c: {  	[spmem:s2] =	stream.indirect.scatter.add.f32 [tilespmem:s15], [sflag:$0x2], $0x80, s20, s14, $0xb8;
	[tilespmem:$0x1F000] =	vst v63  }
0x2d: {  	_ =	swait.ge [sflag:s13], $0x4000  }
0x2e: {  	s21 =	simm.s32 @!p0 $0x18;
	[sflag:s13] =	ssyncset.done $0x0  }
0x2f: {  	s21 =	simm.s32 @p0 $0x10;
	[sflag:s13] =	ssyncadd.s32 $0xFFFFC000  }
0x30: {  	p1 =	sne.s32 s21, $0x1;
	_ =	swait.ge [sflag:s17], $0x4000  }
.Ltmp0:
0x31: {  	[sflag:s17] =	ssyncset.done $0x0;
	(pc) =	sbr.rel @!p1 .LBB2_3-.Ltmp0, $4  }
0x32: {  	s31 =	simm.s32 $0x1880;
	[sflag:s17] =	ssyncadd.s32 $0xFFFFC000  }
0x33: {  	[spmem:s2] =	stream.indirect.scatter.add.f32 [tilespmem:s16], [sflag:$0x2], $0x80, s31, s14, $0xb8;
	[tilespmem:$0x1F000] =	vst v63  }
0x34: {  	_ =	swait.ge [sflag:s13], $0x4000  }
0x35: {  	s22 =	simm.s32 $0x0;
	s21 =	sadd.s32 $0xFFFFFFFF, s21;
	[sflag:s13] =	ssyncset.done $0x0  }
.LBB2_2:
0x36: {  	[sflag:s13] =	ssyncadd.s32 $0xFFFFC000;
	s22 =	sadd.s32 $0x100, s22;
	s20 =	sadd.s32 $0x100, s20  }
0x37: {  	[tilespmem:s15], [sflag:$0x1] =	stream.indirect.gather [hbm4b:s1+s14], $0x80, s22, s14, $0xb8;
	[tilespmem:$0x1F000] =	vst v63  }
0x38: {  	p1 =	sne.s32 s21, $0x1;
	s21 =	sadd.s32 $0xFFFFFFFF, s21;
	s23 =	sadd.s32 $0x80, s22  }
0x39: {  	[tilespmem:s16], [sflag:$0x1] =	stream.indirect.gather [hbm4b:s1+s14], $0x80, s23, s14, $0xb8;
	[tilespmem:$0x1F000] =	vst v63  }
0x3a: {  	_ =	swait.ge [sflag:s17], $0x4000  }
0x3b: {  	[sflag:s17] =	ssyncset.done $0x0  }
0x3c: {  	[sflag:s17] =	ssyncadd.s32 $0xFFFFC000  }
0x3d: {  	[spmem:s2] =	stream.indirect.scatter.add.f32 [tilespmem:s15], [sflag:$0x2], $0x80, s20, s14, $0xb8;
	[tilespmem:$0x1F000] =	vst v63  }
0x3e: {  	_ =	swait.ge [sflag:s13], $0x4000  }
0x3f: {  	[sflag:s13] =	ssyncset.done $0x0  }
0x40: {  	[sflag:s13] =	ssyncadd.s32 $0xFFFFC000  }
0x41: {  	_ =	swait.ge [sflag:s17], $0x4000  }
.Ltmp1:
0x42: {  	[sflag:s17] =	ssyncset.done $0x0;
	(pc) =	sbr.rel @p1 .LBB2_2-.Ltmp1, $4  }
0x43: {  	s23 =	sadd.s32 $0x80, s20;
	[sflag:s17] =	ssyncadd.s32 $0xFFFFC000  }
0x44: {  	[spmem:s2] =	stream.indirect.scatter.add.f32 [tilespmem:s16], [sflag:$0x2], $0x80, s23, s14, $0xb8;
	[tilespmem:$0x1F000] =	vst v63  }
0x45: {  	_ =	swait.ge [sflag:s13], $0x4000  }
0x46: {  	[sflag:s13] =	ssyncset.done $0x0  }
.LBB2_3:
0x47: {  	s19 =	sadd.s32 $0x1, s19  }
0x48: {  	[sflag:s13] =	ssyncadd.s32 $0xFFFFC000;
	p1 =	sne.s32 s19, s11  }
.Ltmp2:
0x49: {  	[bflag:$0x0] =	sbarrier.arrive $0xFFFF;
	(pc) =	sbr.rel @p1 .LBB2_1-.Ltmp2, $4  }
0x4a: {  	[hbm:s18], [sflag:s6] =	dma.local [spmem:s12], $0x2800  }
0x4b: {  	_ =	swait.ge [sflag:s13], $0x2800  }
0x4c: {  	[sflag:s13] =	ssyncset.done $0x0  }
0x4d: {  	[sflag:s13] =	ssyncadd.s32 $0xFFFFD800  }
0x4e: {  	_ =	sfence.sel $0x180000  }
0x4f: {  	[bflag:$0x0] =	sbarrier.arrive $0xFFFF  }
0x50: {  	p0 =	sne.s32 s4, $0x0;
	_ =	strace $0x9000004D  }
0x51: {  	s0 =	sadd.s32 @!p0 $0x100000, s0;
	[bflag:$0x2] =	sbarrier.arrive $0xFFFF  }
0x52: {  	[sflag:s0] =	ssyncadd.tile.s32 @!p0 $0x1;
	_ =	shalt  }
.Lfunc_end2:
_tile_overlayer_lowered:
.L_overlay_start_2:
0x53: {  	(tag) =	ssettag $0x2  }
0x54: {  	s0 =	rddreg [dreg:$0x0];
	s2 =	stileid.u32  }
0x55: {  	s1 =	rddreg [dreg:$0x1];
	p0 =	sne.s32 s2, $0x0  }
0x56: {  	s3 =	rddreg [dreg:$0x2];
	[bflag:$0x3] =	sbarrier.arrive $0xFFFF;
	s2 =	simm.s32 @!p0 $0x1C02  }
0x57: {  	[timem:s3], [sflag:s2] =	dma.local @!p0 [hbm:s0], s1  }
0x58: {  	s0 =	simm.s32 @!p0 $0x2  }
0x59: {  	_ =	swait.ge @!p0 [sflag:s0], s1  }
0x5a: {  	s1 =	ssub.s32 @!p0 $0x0, s1;
	[sflag:s0] =	ssyncset.done @!p0 $0x0  }
0x5b: {  	[sflag:s0] =	ssyncadd.s32 @!p0 s1  }
0x5c: {  	[bflag:$0x3] =	sbarrier.arrive $0xFFFF  }
0x5d: {  	_ =	shalt  }

// kernel: kernel.8.cloned.1.call-start
scs
__scs_entry_jumppad:
0x0: {  	(pc) =	sbr.rel $0x88, $3  }
0x1: {  	(tag) =	ssettag $0x0;
	lr =	simm.s32 $0x1  }
0x2: {  	[smem:$0x3F9B] =	sst lr;
	_ =	strace $0xD0000000  }
0x3: {  	_ = 	snop  }
0x4: {  	_ = 	snop  }
0x5: {  	_ = 	snop  }
0x6: {  	_ = 	snop  }
0x7: {  	_ = 	snop  }
__scs_overlays_trampoline_lowered:
0x8: {  	[smem:$0x3FAA] =	sst s0  }
0x9: {  	[smem:$0x3FAB] =	sst s1  }
0xa: {  	[smem:$0x3FAC] =	sst s2  }
0xb: {  	[smem:$0x3FAD] =	sst s3  }
0xc: {  	[smem:$0x3FAE] =	sst s4  }
0xd: {  	[smem:$0x3FAF] =	sst s5  }
0xe: {  	[smem:$0x3FB0] =	sst s6  }
0xf: {  	[smem:$0x3FB1] =	sst s7  }
0x10: {  	[smem:$0x3FB2] =	sst s8  }
0x11: {  	[smem:$0x3FB3] =	sst s9;
	s0 =	simm.s32 @!p0 $0x0  }
0x12: {  	s1 =	sld [smem:$0x3F99];
	s0 =	simm.s32 @p0 $0x1  }
0x13: {  	[smem:$0x3FB4] =	sst s0;
	s0 =	simm.s32 @!p1 $0x0  }
0x14: {  	s2 =	sld [smem:$0x3F98];
	s0 =	simm.s32 @p1 $0x1  }
0x15: {  	[smem:$0x3FB5] =	sst s0;
	s0 =	simm.s32 @!p2 $0x0  }
0x16: {  	s3 =	sld [smem:$0x3FDB];
	s0 =	simm.s32 @p2 $0x1  }
0x17: {  	s4 =	simm.s32 $0x1BF5;
	[smem:$0x3FB7] =	sst s0  }
0x18: {  	s0 =	sld [smem:$0x3F9A];
	_ =	swait.ge [sflag:s4], $0x0  }
0x19: {  	s7 =	sld [smem:$0x3F9B]  }
0x1a: {  	s8 =	sadd.s32 $0xFFFFE003, lr  }
0x1b: {  	s9 =	sadd.s32 $0xFFFFFEF7, lr;
	s5 =	simm.s32 $0xFFFFFFFF;
	p2 =	slt.u32 s8, $0xFFFFF086  }
0x1c: {  	p1 =	slt.u32 s9, $0xF7A;
	s5 =	simm.s32 @!p2 $0x0  }
0x1d: {  	s5 =	simm.s32 @p1 $0x1;
	p0 =	seq.s32 s7, s2  }
0x1e: {  	s7 =	smul.u32 @!p0 $0xF7A, s2;
	p2 =	seq.s32 @!p0 s5, $0x0  }
0x1f: {  	s9 =	smul.u32 $0xF7A, s1;
	s8 =	simm.s32 @!p0 $0x1BF5;
	p2 =	por !p2, p0  }
0x20: {  	[sflag:s8] =	ssyncset.s32 @!p0 $0xFFFFF086;
	s6 =	sadd.s32 @!p0 s3, s7;
	s7 =	simm.s32 @!p0 $0x108  }
0x21: {  	s3 =	sadd.s32 s3, s9;
	s6 =	sadd.s32 @!p0 $0x88, s6;
	s7 =	simm.s32 @p2 $0x1082  }
0x22: {  	[simem:s7], [sflag:s8] =	dma.local @!p0 [hbm:s6], $0xF7A  }
0x23: {  	s9 =	sor.u32 $0xD0000000, s2;
	s6 =	simm.s32 $0x108;
	_ =	swait.ge @!p0 [sflag:s8], $0x0  }
0x24: {  	s3 =	sadd.s32 $0x88, s3;
	s6 =	simm.s32 @!p1 $0x1082;
	[sflag:s4] =	ssyncset.s32 $0xFFFFF086  }
0x25: {  	[simem:s6], [sflag:s4] =	dma.local [hbm:s3], $0xF7A  }
0x26: {  	[smem:$0x3F9B] =	sst s1;
	(tag) =	ssettag s2;
	_ =	strace s9  }
0x27: {  	s1 =	sld [smem:$0x3FAB]  }
0x28: {  	s2 =	sld [smem:$0x3FAC]  }
0x29: {  	s4 =	sld [smem:$0x3FAE]  }
0x2a: {  	p0 =	seq.s32 s5, $0x0;
	s5 =	sld [smem:$0x3FAF]  }
0x2b: {  	s6 =	sld [smem:$0x3FB0]  }
0x2c: {  	s7 =	sld [smem:$0x3FB1]  }
0x2d: {  	s3 =	simm.s32 $0x108;
	s8 =	sld [smem:$0x3FB2]  }
0x2e: {  	s3 =	simm.s32 @!p0 $0x1082;
	s9 =	sld [smem:$0x3FB3]  }
0x2f: {  	lr =	sadd.s32 s0, s3;
	s0 =	sld [smem:$0x3FAA]  }
0x30: {  	s3 =	sld [smem:$0x3FAD]  }
0x31: {  	[smem:$0x3FB6] =	sst s10  }
0x32: {  	s10 =	sld [smem:$0x3FB4];
	_ =	sdelay $0x3  }
0x33: {  	p0 =	seq.s32 s10, $0x1;
	s10 =	sld [smem:$0x3FB6];
	_ =	sdelay $0x3  }
0x34: {  	[smem:$0x3FB6] =	sst s10  }
0x35: {  	s10 =	sld [smem:$0x3FB5];
	_ =	sdelay $0x3  }
0x36: {  	p1 =	seq.s32 s10, $0x1;
	s10 =	sld [smem:$0x3FB6];
	_ =	sdelay $0x3  }
0x37: {  	[smem:$0x3FB6] =	sst s10  }
0x38: {  	s10 =	sld [smem:$0x3FB7]  }
0x39: {  	_ = 	snop;
	(pc) =	sbr.ind lr, $3  }
0x3a: {  	_ = 	snop  }
0x3b: {  	_ = 	snop  }
0x3c: {  	p2 =	seq.s32 s10, $0x1;
	s10 =	sld [smem:$0x3FB6]  }
0x3d: {  	_ =	shalt  }
0x3e: {  	_ =	shalt  }
0x3f: {  	_ =	shalt  }
0x40: {  	_ =	shalt  }
0x41: {  	_ =	shalt  }
0x42: {  	_ =	shalt  }
0x43: {  	_ =	shalt  }
0x44: {  	_ =	shalt  }
0x45: {  	_ =	shalt  }
0x46: {  	_ =	shalt  }
0x47: {  	_ =	shalt  }
0x48: {  	_ =	shalt  }
0x49: {  	_ =	shalt  }
0x4a: {  	_ =	shalt  }
0x4b: {  	_ =	shalt  }
0x4c: {  	_ =	shalt  }
0x4d: {  	_ =	shalt  }
0x4e: {  	_ =	shalt  }
0x4f: {  	_ =	shalt  }
0x50: {  	_ =	shalt  }
0x51: {  	_ =	shalt  }
0x52: {  	_ =	shalt  }
0x53: {  	_ =	shalt  }
0x54: {  	_ =	shalt  }
0x55: {  	_ =	shalt  }
0x56: {  	_ =	shalt  }
0x57: {  	_ =	shalt  }
0x58: {  	_ =	shalt  }
0x59: {  	_ =	shalt  }
0x5a: {  	_ =	shalt  }
0x5b: {  	_ =	shalt  }
0x5c: {  	_ =	shalt  }
0x5d: {  	_ =	shalt  }
0x5e: {  	_ =	shalt  }
0x5f: {  	_ =	shalt  }
0x60: {  	_ =	shalt  }
0x61: {  	_ =	shalt  }
0x62: {  	_ =	shalt  }
0x63: {  	_ =	shalt  }
0x64: {  	_ =	shalt  }
0x65: {  	_ =	shalt  }
0x66: {  	_ =	shalt  }
0x67: {  	_ =	shalt  }
0x68: {  	_ =	shalt  }
0x69: {  	_ =	shalt  }
0x6a: {  	_ =	shalt  }
0x6b: {  	_ =	shalt  }
0x6c: {  	_ =	shalt  }
0x6d: {  	_ =	shalt  }
0x6e: {  	_ =	shalt  }
0x6f: {  	_ =	shalt  }
0x70: {  	_ =	shalt  }
0x71: {  	_ =	shalt  }
0x72: {  	_ =	shalt  }
0x73: {  	_ =	shalt  }
0x74: {  	_ =	shalt  }
0x75: {  	_ =	shalt  }
0x76: {  	_ =	shalt  }
0x77: {  	_ =	shalt  }
0x78: {  	_ =	shalt  }
0x79: {  	_ =	shalt  }
0x7a: {  	_ =	shalt  }
0x7b: {  	_ =	shalt  }
0x7c: {  	_ =	shalt  }
0x7d: {  	_ =	shalt  }
0x7e: {  	_ =	shalt  }
0x7f: {  	_ =	shalt  }
0x80: {  	_ =	shalt  }
0x81: {  	_ =	shalt  }
0x82: {  	_ =	shalt  }
0x83: {  	_ =	shalt  }
0x84: {  	_ =	shalt  }
0x85: {  	_ =	shalt  }
0x86: {  	_ =	shalt  }
0x87: {  	_ =	shalt  }
.Lfunc_end0:
.L_simem_size_0:
called_computation_lowered:
.L_overlay_start_0:
0x88: {  	s2 =	sld [smem:$0x3FD9]  }
0x89: {  	s3 =	sld [smem:$0x3FFE];
	_ =	sdelay $0x1  }
0x8a: {  	s1 =	srdreg.scid  }
0x8b: {  	s0 =	sand.u32 $0x1, s1  }
0x8c: {  	s17 =	sshll.u32 s0, $0xA;
	s2 =	sadd.s32 s3, s2  }
0x8d: {  	s2 =	sadd.s32 s2, s17  }
0x8e: {  	[smem:$0x3FC2] =	sst s2  }
0x8f: {  	_ = 	snop  }
0x90: {  	s2 =	sld [smem:$0x3FD0];
	(tm) =	ssettm $0x1  }
0x91: {  	s18 =	sld [smem:$0x3FFB];
	_ =	sdelay $0x3  }
0x92: {  	_ =	strace s18  }
0x93: {  	s3 =	sld [smem:$0x3FFC];
	_ =	sdelay $0x3  }
0x94: {  	_ =	strace s3  }
0x95: {  	s3 =	sld [smem:$0x3FFD];
	_ =	sdelay $0x3  }
0x96: {  	_ =	strace s3  }
0x97: {  	_ =	strace $0x8FFFFFFF  }
0x98: {  	s19 =	sld [smem:$0x3FDB];
	_ =	sdelay $0x1  }
0x99: {  	s4 =	simm.s32 $_scs_section_size  }
0x9a: {  	s5 =	simm.s32 $_size__tile_overlayer_lowered;
	s6 =	simm.s32 $_tile_overlayer_lowered  }
0x9b: {  	s22 =	simm.s32 $0x1BFF;
	s21 =	sshll.u32 s6, $0x1;
	s3 =	sadd.s32 s4, s19  }
0x9c: {  	s7 =	simm.s32 $0x0;
	s20 =	sshll.u32 s5, $0x1;
	s5 =	sadd.s32 s21, s3  }
0x9d: {  	[timem:s7], [sflag:s22] =	dma.local [hbm:s5], s20  }
0x9e: {  	_ =	swait.ge [sflag:s22], s20  }
0x9f: {  	s4 =	ssub.s32 $0x0, s20;
	[sflag:s22] =	ssyncset.done $0x0  }
0xa0: {  	[sflag:s22] =	ssyncadd.s32 s4;
	_ =	sdelay $0x1  }
0xa1: {  	s23 =	simm.s32 $0x1B8B  }
0xa2: {  	_ =	swait.ge [sflag:s23], $0x1  }
0xa3: {  	[sflag:s23] =	ssyncset.done $0x0  }
0xa4: {  	s25 =	simm.s32 $0x1B8E;
	s24 =	sld [smem:$0x3FFE];
	[sflag:s23] =	ssyncadd.s32 $0xFFFFFFFF  }
0xa5: {  	s26 =	simm.s32 $execute0_lowered;
	[smem:$0x3FD2] =	sst s25  }
0xa6: {  	s5 =	sshll.u32 s26, $0x1;
	_ =	strace $0x80000046;
	[dreg:$0x1] =	wrdreg $0xFFFFFFFF  }
0xa7: {  	s28 =	simm.s32 $_size_execute0_lowered;
	s3 =	sadd.s32 s3, s5;
	[dreg:$0x0] =	wrdreg $0x0  }
0xa8: {  	s5 =	sshll.u32 s28, $0x1;
	[dreg:$0x2] =	wrdreg s3  }
0xa9: {  	[dreg:$0x3] =	wrdreg s5  }
0xaa: {  	[dreg:$0x4] =	wrdreg $0xC0  }
0xab: {  	_ =	task [dreg:s7], $0x5FFFF  }
0xac: {  	[dreg:$0x1] =	wrdreg $0xFFFFFFFF  }
0xad: {  	[dreg:$0x0] =	wrdreg $0x60  }
0xae: {  	[dreg:$0x2] =	wrdreg s24  }
0xaf: {  	[dreg:$0x3] =	wrdreg s2  }
0xb0: {  	[dreg:$0x4] =	wrdreg $0x9  }
0xb1: {  	_ =	task.clear_ibuf [dreg:s7], $0x5FFFF;
	_ =	strace $0x90000046  }
0xb2: {  	s29 =	simm.s32 $0x9;
	_ =	strace $0x80000048  }
0xb3: {  	_ =	swait.ge [sflag:s29], $0x1  }
0xb4: {  	[sflag:s29] =	ssyncadd.s32 $0xFFFFFFFF  }
0xb5: {  	_ =	strace $0x90000048  }
0xb6: {  	_ =	sfence  }
0xb7: {  	s30 =	sld [smem:$0x0];
	_ =	sdelay $0x2  }
0xb8: {  	s31 =	sshll.u32 s1, $0xD;
	s1 =	sshrl.u32 s1, $0x2  }
0xb9: {  	s3 =	sand.u32 $0x4000, s31;
	s1 =	sadd.s32 s1, s30  }
0xba: {  	s0 =	sor.u32 s3, s0;
	s1 =	sshll.u32 s1, $0x11  }
0xbb: {  	s0 =	sor.u32 s1, s0  }
0xbc: {  	s0 =	sadd.s32 $0x8F2B, s0  }
0xbd: {  	[sflag:s0] =	ssyncadd.remote.s32 $0x1  }
0xbe: {  	_ =	sfence.sel $0xFFFF  }
0xbf: {  	[dreg:$0x0] =	wrdreg $0xFFFFFFFF;
	(pc) =	sbr.abs _section_cstart, $3  }
0xc0: {  	[dreg:$0x1] =	wrdreg $0xFFFFFFFF  }
0xc1: {  	_ =	task.clear_ibuf [dreg:s7], $0x2FFFF;
	_ =	strace $0x9FFFFFFF  }
0xc2: {  	(tm) =	ssettm $0x7FFFFFFF  }
0xc3: {  	_ =	shalt  }
tec
execute0_lowered:
.L_overlay_start_1:
0x0: {  	(tag) =	ssettag $0x1  }
0x1: {  	s0 =	srdreg.scid  }
0x2: {  	s4 =	rddreg [dreg:$0x0];
	s3 =	sand.u32 $0x1, s0  }
0x3: {  	s5 =	rddreg [dreg:$0x1];
	s0 =	stileid.u32;
	s1 =	sshll.u32 s3, $0x4  }
0x4: {  	s2 =	simm.s32 $0x0;
	s9 =	simm.s32 $0x400;
	s6 =	sor.u32 s0, s1  }
0x5: {  	s10 =	simm.s32 $0x0;
	[smem:$0x7FF] =	sst s2;
	s7 =	sshrl.u32 s6, $0x3  }
0x6: {  	s8 =	sshll.u32 s0, $0x7;
	s3 =	ssub.s32 $0x2, s3;
	s7 =	smul.u32 $0x14000, s7  }
0x7: {  	s1 =	rddreg [dreg:$0x2];
	s8 =	sand.u32 $0x380, s8;
	s6 =	smul.u32 $0x280, s6  }
0x8: {  	_ =	strace $0x80000047;
	s31 =	sshrl.u32 s3, $0x1;
	s7 =	sor.u32 s8, s7  }
0x9: {  	s4 =	sadd.s32 s6, s4;
	s6 =	ssub.s32 s3, s31;
	s7 =	sshrl.u32 s7, $0x3  }
0xa: {  	s3 =	sadd.s32 $0x6E00, s4;
	s8 =	simm.s32 $0x80;
	s4 =	sadd.s32 s5, s7  }
0xb: {  	v0 =	vimm.f32 $0.0e+00;
	v1 =	vimm.f32 $1.000000000e+00;
	s5 =	smax.u32 s6, $0x1;
	s6 =	simm.s32 $0x1;
	s7 =	simm.s32 $0x1400  }
.LBB2_1:
0xc: {  	s11 =	simm.s32 $0x40;
	s12 =	simm.s32 $0x0  }
.LBB2_2:
0xd: {  	p0 =	sne.s32 s11, $0x9FC0;
	[tilespmem:s12+$0x1400] =	vst v0;
	s12 =	smov.u32 s11;
	s11 =	sadd.s32 $0x40, s11  }
.Ltmp0:
0xe: {  	(pc) =	sbr.rel @p0 .LBB2_2-.Ltmp0, $2  }
0xf: {  	_ =	sdelay $0x2  }
0x10: {  	s12 =	sshra.s32 s12, $0x2  }
0x11: {  	[tilespmem:s12+$0x1400] =	vst v0  }
0x12: {  	[tilespmem:s2], [sflag:$0x1] =	stream.linear.gather [hbm4b:s3+s2], $0x1400, $0x38;
	[tilespmem:$0x3C00] =	vst v63  }
0x13: {  	_ =	swait.ge [sflag:s6], $0x1400  }
0x14: {  	[sflag:s6] =	ssyncset.done $0x0  }
0x15: {  	s11 =	simm.s32 $0x1C0;
	[sflag:s6] =	ssyncadd.s32 $0xFFFFEC00  }
.LBB2_4:
0x16: {  	s12 =	sshra.s32 s11, $0x2  }
0x17: {  	v2 =	vld [tilespmem:s12+$0xFFFFFF90];
	_ =	sdelay $0x7  }
0x18: {  	[tilespmem:v2+s7+$0x0] =	vst.idx.add.f32.msk $0xffff, v1  }
0x19: {  	v2 =	vld [tilespmem:s12+$0xFFFFFFA0];
	_ =	sdelay $0x7  }
0x1a: {  	[tilespmem:v2+s7+$0x0] =	vst.idx.add.f32.msk $0xffff, v1  }
0x1b: {  	v2 =	vld [tilespmem:s12+$0xFFFFFFB0];
	_ =	sdelay $0x7  }
0x1c: {  	[tilespmem:v2+s7+$0x0] =	vst.idx.add.f32.msk $0xffff, v1  }
0x1d: {  	v2 =	vld [tilespmem:s12+$0xFFFFFFC0];
	_ =	sdelay $0x7  }
0x1e: {  	[tilespmem:v2+s7+$0x0] =	vst.idx.add.f32.msk $0xffff, v1  }
0x1f: {  	v2 =	vld [tilespmem:s12+$0xFFFFFFD0];
	_ =	sdelay $0x7  }
0x20: {  	[tilespmem:v2+s7+$0x0] =	vst.idx.add.f32.msk $0xffff, v1  }
0x21: {  	v2 =	vld [tilespmem:s12+$0xFFFFFFE0];
	_ =	sdelay $0x7  }
0x22: {  	[tilespmem:v2+s7+$0x0] =	vst.idx.add.f32.msk $0xffff, v1  }
0x23: {  	v2 =	vld [tilespmem:s12+$0xFFFFFFF0];
	_ =	sdelay $0x7  }
0x24: {  	[tilespmem:v2+s7+$0x0] =	vst.idx.add.f32.msk $0xffff, v1  }
0x25: {  	v2 =	vld [tilespmem:s12+$0x0];
	_ =	sdelay $0x2  }
0x26: {  	p0 =	sne.s32 s11, $0x4FC0  }
.Ltmp1:
0x27: {  	_ = 	snop;
	(pc) =	sbr.rel @p0 .LBB2_4-.Ltmp1, $2  }
0x28: {  	_ =	sdelay $0x2  }
0x29: {  	s11 =	sadd.s32 $0x200, s11;
	[tilespmem:v2+s7+$0x0] =	vst.idx.add.f32.msk $0xffff, v1  }
0x2a: {  	s10 =	sadd.s32 $0x1, s10  }
0x2b: {  	p0 =	sne.s32 s10, s5  }
.Ltmp2:
0x2c: {  	_ = 	snop;
	(pc) =	sbr.rel @p0 .LBB2_1-.Ltmp2, $4  }
0x2d: {  	[hbm4b:s4+s8] =	stream.strided.scatter [tilespmem:s7], [sflag:$0x1], $0x2800, s9, s8, $0x38;
	[tilespmem:$0x3C00] =	vst v63  }
0x2e: {  	_ =	swait.ge [sflag:s6], $0x2800  }
0x2f: {  	[sflag:s6] =	ssyncset.done $0x0  }
0x30: {  	[sflag:s6] =	ssyncadd.s32 $0xFFFFD800  }
0x31: {  	_ =	sfence.sel $0x180000  }
0x32: {  	[bflag:$0x0] =	sbarrier.arrive $0xFFFF  }
0x33: {  	p0 =	sne.s32 s0, $0x0;
	_ =	strace $0x90000047  }
0x34: {  	s0 =	sadd.s32 @!p0 $0x100000, s1;
	[bflag:$0x2] =	sbarrier.arrive $0xFFFF  }
0x35: {  	[sflag:s0] =	ssyncadd.tile.s32 @!p0 $0x1;
	_ =	shalt  }
.Lfunc_end2:
_tile_overlayer_lowered:
.L_overlay_start_2:
0x36: {  	(tag) =	ssettag $0x2  }
0x37: {  	s0 =	rddreg [dreg:$0x0];
	s2 =	stileid.u32  }
0x38: {  	s1 =	rddreg [dreg:$0x1];
	p0 =	sne.s32 s2, $0x0  }
0x39: {  	s3 =	rddreg [dreg:$0x2];
	[bflag:$0x3] =	sbarrier.arrive $0xFFFF;
	s2 =	simm.s32 @!p0 $0x1C01  }
0x3a: {  	[timem:s3], [sflag:s2] =	dma.local @!p0 [hbm:s0], s1  }
0x3b: {  	s0 =	simm.s32 @!p0 $0x1  }
0x3c: {  	_ =	swait.ge @!p0 [sflag:s0], s1  }
0x3d: {  	s1 =	ssub.s32 @!p0 $0x0, s1;
	[sflag:s0] =	ssyncset.done @!p0 $0x0  }
0x3e: {  	[sflag:s0] =	ssyncadd.s32 @!p0 s1  }
0x3f: {  	[bflag:$0x3] =	sbarrier.arrive $0xFFFF  }
0x40: {  	_ =	shalt  }

</sc_bundles>
